<compile_context>
chip_gen: v7x
topology: tpu7x:2x2x1
jax: 0.10.2.dev20260603
libtpu: 0.0.44.dev20260713+nightly
codegen_flags: <defaults>
</compile_context>

<pallas_src>
import functools

import jax
import jax.numpy as jnp
from jax import lax
from jax.experimental import pallas as pl
from jax.experimental.pallas import tpu as pltpu
from jax.experimental.pallas import tpu_sc as plsc

VOCAB = 100000
D = 128
B = 4096
CTX = 20

NC = 2
NS = 16
NW = NC * NS
LANES = 16

BPW = B // NW
CHUNK = 4
NCHUNK = BPW // CHUNK
IDX_PER_CHUNK = CHUNK * CTX


def _gather_mean(inp_grouped, table):
  mesh = plsc.VectorSubcoreMesh(core_axis_name="c", subcore_axis_name="s")

  @functools.partial(
      pl.kernel,
      out_type=jax.ShapeDtypeStruct((B, D), jnp.float32),
      mesh=mesh,
      scratch_types=[
          pltpu.VMEM((NCHUNK, IDX_PER_CHUNK), jnp.int32),
          pltpu.VMEM((IDX_PER_CHUNK, D), jnp.float32),
          pltpu.VMEM((BPW, D), jnp.float32),
          pltpu.SemaphoreType.DMA,
      ],
  )
  def k(inp_hbm, table_hbm, out_hbm, idx_v, rows_v, avg_v, sem):
    wid = lax.axis_index("s") * NC + lax.axis_index("c")
    base = wid * BPW
    pltpu.sync_copy(inp_hbm.at[wid], idx_v)

    def chunk_body(c, carry):
      pltpu.async_copy(table_hbm.at[idx_v.at[c]], rows_v, sem).wait()
      for j in range(CHUNK):
        row0 = j * CTX
        for d in range(D // LANES):
          sl = pl.ds(d * LANES, LANES)

          def red(t, acc):
            return acc + rows_v[row0 + t, sl]

          acc = lax.fori_loop(1, CTX, red, rows_v[row0, sl])
          avg_v[c * CHUNK + j, sl] = acc * (1.0 / CTX)
      return carry

    lax.fori_loop(0, NCHUNK, chunk_body, 0)
    pltpu.sync_copy(avg_v, out_hbm.at[pl.ds(base, BPW)])

  return k(inp_grouped, table)


BM = 2048
BN = 512


def _mm_body(x_ref, w_ref, b_ref, o_ref):
  o_ref[...] = lax.dot_general(
      x_ref[...], w_ref[...],
      dimension_numbers=(((1,), (1,)), ((), ())),
      preferred_element_type=jnp.float32) + b_ref[...]


def _project(avg, W, b2):
  nm = B // BM
  nn = pl.cdiv(VOCAB, BN)
  return pl.pallas_call(
      _mm_body,
      grid=(nm, nn),
      in_specs=[
          pl.BlockSpec((BM, D), lambda m, n: (m, 0)),
          pl.BlockSpec((BN, D), lambda m, n: (n, 0)),
          pl.BlockSpec((1, BN), lambda m, n: (0, n)),
      ],
      out_specs=pl.BlockSpec((BM, BN), lambda m, n: (m, n)),
      out_shape=jax.ShapeDtypeStruct((B, VOCAB), jnp.float32),
      compiler_params=pltpu.CompilerParams(
          dimension_semantics=("parallel", "parallel")),
  )(avg, W, b2)


def kernel(inp, embed_table, W, b):
  inp_grouped = inp.astype(jnp.int32).reshape(NW, NCHUNK, IDX_PER_CHUNK)
  avg = _gather_mean(inp_grouped, embed_table)
  return _project(avg, W, b.reshape(1, VOCAB))

# --- scband reference (transcript-rebuilt; emitter-appended) ---
"""Pipeline reference for scband-cbow-model-11819749998816 (READ-ONLY COPY).

The authoritative reference and input builder live on the scoring server;
editing this copy changes nothing except your own understanding.
"""

import jax, jax.numpy as jnp
import numpy as np

VOCAB = 100000
NEMBED = 128
BATCH = 4096
CTX = 20

def setup_inputs(seed: int = 0) -> dict:
    key = jax.random.key(seed)
    k1, k2, k3, k4 = jax.random.split(key, 4)
    inp = jax.random.randint(k1, (BATCH, CTX), 0, VOCAB, dtype=jnp.int64 if jax.config.jax_enable_x64 else jnp.int32)
    embed_table = jax.random.normal(k2, (VOCAB, NEMBED), dtype=jnp.float32)
    # torch.nn.Linear(nEmbed, vocabSize): weight [vocab, nEmbed], bias [vocab]
    W = jax.random.normal(k3, (VOCAB, NEMBED), dtype=jnp.float32) * (1.0 / np.sqrt(NEMBED))
    b = jax.random.normal(k4, (VOCAB,), dtype=jnp.float32) * 0.01
    return {"inp": inp, "embed_table": embed_table, "W": W, "b": b}

def reference(inp, embed_table, W, b):
    # embedding lookup: gather rows of the table
    embedded_inp = jnp.take(embed_table, inp, axis=0)  # [B, CTX, nEmbed]
    avg_inp = embedded_inp.mean(axis=1)                # [B, nEmbed]
    logits = avg_inp @ W.T + b                         # [B, vocab]
    return logits

if __name__ == "__main__":
    import jax
    _d = setup_inputs()
    print(jax.jit(kernel)(*tuple(_d.values())))

</pallas_src>

<mosaic_0001>
#map = affine_map<(d0, d1) -> (0, 0, 0)>
#map1 = affine_map<(d0, d1) -> (0, 0)>
module attributes {stable_mosaic.version = 14 : i64} {
  func.func @k(%arg0: i32, %arg1: i32, %arg2: memref<32x32x80xi32, #tpu.memory_space<hbm>>, %arg3: memref<100000x128xf32, #tpu.memory_space<hbm>>, %arg4: memref<4096x128xf32, #tpu.memory_space<hbm>>, %arg5: memref<32x80xi32, #tpu.memory_space<vmem>>, %arg6: memref<80x128xf32, #tpu.memory_space<vmem>>, %arg7: memref<128x128xf32, #tpu.memory_space<vmem>>, %arg8: memref<!tpu.dma_semaphore, #tpu.memory_space<semaphore_mem>>) attributes {dimension_semantics = [#tpu.dimension_semantics<core_parallel>, #tpu.dimension_semantics<subcore_parallel>], iteration_bounds = array<i64: 2, 16>, scalar_prefetch = 0 : i64, scratch_operands = 4 : i64, tpu.core_type = #tpu.core_type<sc_vector_subcore>, window_params = [{transform_indices = #map}, {transform_indices = #map1}, {transform_indices = #map1}]} {
    %mul3A = arith.constant 2 : i32
    %mul3A_0 = arith.muli %arg1, %mul3A : i32
    %add3A = arith.addi %mul3A_0, %arg0 : i32
    %mul3A_1 = arith.constant 128 : i32
    %mul3A_2 = arith.muli %add3A, %mul3A_1 : i32
    "tpu.region"() ({
      %run_scoped3A = tpu.sem_alloc : memref<!tpu.dma_semaphore, #tpu.memory_space<semaphore_mem>>
      %dma_start3A = arith.constant 0 : i32
      %dma_start3A_8 = arith.constant 0 : i32
      %dma_start3A_9 = tpu.memref_slice %arg2[%add3A, %dma_start3A, %dma_start3A_8] : memref<32x32x80xi32, #tpu.memory_space<hbm>> -> memref<1x32x80xi32, #tpu.memory_space<hbm>>
      %dma_start3A_10 = tpu.memref_squeeze %dma_start3A_9 : memref<1x32x80xi32, #tpu.memory_space<hbm>> -> memref<32x80xi32, #tpu.memory_space<hbm>>
      %dma_start3A_11 = arith.constant 0 : i32
      %dma_start3A_12 = arith.constant 0 : i32
      %dma_start3A_13 = tpu.memref_slice %arg2[%add3A, %dma_start3A_11, %dma_start3A_12] : memref<32x32x80xi32, #tpu.memory_space<hbm>> -> memref<1x32x80xi32, #tpu.memory_space<hbm>>
      %dma_start3A_14 = tpu.memref_squeeze %dma_start3A_13 : memref<1x32x80xi32, #tpu.memory_space<hbm>> -> memref<32x80xi32, #tpu.memory_space<hbm>>
      tpu.enqueue_dma source(%dma_start3A_14 : memref<32x80xi32, #tpu.memory_space<hbm>>) target(%arg5 : memref<32x80xi32, #tpu.memory_space<vmem>>) target_semaphore(%run_scoped3A : memref<!tpu.dma_semaphore, #tpu.memory_space<semaphore_mem>>)
      %dma_wait3A = arith.constant 0 : i32
      %dma_wait3A_15 = arith.constant 0 : i32
      %dma_wait3A_16 = tpu.memref_slice %arg2[%add3A, %dma_wait3A, %dma_wait3A_15] : memref<32x32x80xi32, #tpu.memory_space<hbm>> -> memref<1x32x80xi32, #tpu.memory_space<hbm>>
      %dma_wait3A_17 = tpu.memref_squeeze %dma_wait3A_16 : memref<1x32x80xi32, #tpu.memory_space<hbm>> -> memref<32x80xi32, #tpu.memory_space<hbm>>
      %dma_wait3A_18 = arith.constant 0 : i32
      %dma_wait3A_19 = arith.constant 0 : i32
      %dma_wait3A_20 = tpu.memref_slice %arg2[%add3A, %dma_wait3A_18, %dma_wait3A_19] : memref<32x32x80xi32, #tpu.memory_space<hbm>> -> memref<1x32x80xi32, #tpu.memory_space<hbm>>
      %dma_wait3A_21 = tpu.memref_squeeze %dma_wait3A_20 : memref<1x32x80xi32, #tpu.memory_space<hbm>> -> memref<32x80xi32, #tpu.memory_space<hbm>>
      tpu.wait_dma2 semaphore(%run_scoped3A : memref<!tpu.dma_semaphore, #tpu.memory_space<semaphore_mem>>) src(%dma_wait3A_21 : memref<32x80xi32, #tpu.memory_space<hbm>>) dst(%arg5 : memref<32x80xi32, #tpu.memory_space<vmem>>)
      tpu.yield
    }) : () -> ()
    %scan3A = arith.constant 0 : i32
    %scan3A_3 = arith.constant 0 : i32
    %scan3A_4 = arith.constant 32 : i32
    %scan3A_5 = arith.addi %scan3A_3, %scan3A_4 : i32
    %scan3A_6 = arith.constant 1 : i32
    scf.for %scan3A_8 = %scan3A_3 to %scan3A_5 step %scan3A_6  : i32 {
      %dma_start3A = arith.constant 0 : i32
      %dma_start3A_9 = tpu.memref_slice %arg5[%scan3A_8, %dma_start3A] : memref<32x80xi32, #tpu.memory_space<vmem>> -> memref<1x80xi32, #tpu.memory_space<vmem>>
      %dma_start3A_10 = tpu.memref_squeeze %dma_start3A_9 : memref<1x80xi32, #tpu.memory_space<vmem>> -> memref<80xi32, #tpu.memory_space<vmem>>
      %dma_start3A_11 = arith.constant 0 : i32
      %dma_start3A_12 = arith.constant 0 : i32
      %dma_start3A_13 = tpu.memref_slice %arg3[%dma_start3A_11, %dma_start3A_12] : memref<100000x128xf32, #tpu.memory_space<hbm>> -> memref<100000x128xf32, #tpu.memory_space<hbm>>
      tpu.enqueue_indirect_dma source(%dma_start3A_13 : memref<100000x128xf32, #tpu.memory_space<hbm>>) target(%arg6 : memref<80x128xf32, #tpu.memory_space<vmem>>) offsets(%dma_start3A_10 : memref<80xi32, #tpu.memory_space<vmem>>) semaphore(%arg8 : memref<!tpu.dma_semaphore, #tpu.memory_space<semaphore_mem>>)
      %dma_wait3A = arith.constant 0 : i32
      %dma_wait3A_14 = tpu.memref_slice %arg5[%scan3A_8, %dma_wait3A] : memref<32x80xi32, #tpu.memory_space<vmem>> -> memref<1x80xi32, #tpu.memory_space<vmem>>
      %dma_wait3A_15 = tpu.memref_squeeze %dma_wait3A_14 : memref<1x80xi32, #tpu.memory_space<vmem>> -> memref<80xi32, #tpu.memory_space<vmem>>
      %dma_wait3A_16 = arith.constant 0 : i32
      %dma_wait3A_17 = arith.constant 0 : i32
      %dma_wait3A_18 = tpu.memref_slice %arg3[%dma_wait3A_16, %dma_wait3A_17] : memref<100000x128xf32, #tpu.memory_space<hbm>> -> memref<100000x128xf32, #tpu.memory_space<hbm>>
      tpu.wait_indirect_dma semaphore(%arg8 : memref<!tpu.dma_semaphore, #tpu.memory_space<semaphore_mem>>) src(%dma_wait3A_18 : memref<100000x128xf32, #tpu.memory_space<hbm>>) dst(%arg6 : memref<80x128xf32, #tpu.memory_space<vmem>>)
      %get3A = arith.constant 0 : i32
      %get3A_19 = arith.index_cast %get3A : i32 to index
      %get3A_20 = arith.constant 0 : index
      %get3A_21 = tpu.vector_load %arg6[%get3A_19, %get3A_20] {strides = array<i32>} : memref<80x128xf32, #tpu.memory_space<vmem>>, vector<1x16xf32>,
      %get3A_22 = vector.shape_cast %get3A_21 : vector<1x16xf32> to vector<16xf32>
      %scan3A_23 = arith.constant 1 : i32
      %scan3A_24 = arith.constant 19 : i32
      %scan3A_25 = arith.addi %scan3A_23, %scan3A_24 : i32
      %scan3A_26 = arith.constant 1 : i32
      %scan3A_27 = scf.for %scan3A_753 = %scan3A_23 to %scan3A_25 step %scan3A_26 iter_args(%scan3A_754 = %get3A_22) -> (vector<16xf32>)  : i32 {
        %add3A_755 = arith.constant 0 : i32
        %add3A_756 = arith.addi %add3A_755, %scan3A_753 : i32
        %get3A_757 = arith.index_cast %add3A_756 : i32 to index
        %get3A_758 = arith.constant 0 : index
        %get3A_759 = tpu.vector_load %arg6[%get3A_757, %get3A_758] {strides = array<i32>} : memref<80x128xf32, #tpu.memory_space<vmem>>, vector<1x16xf32>,
        %get3A_760 = vector.shape_cast %get3A_759 : vector<1x16xf32> to vector<16xf32>
        %add3A_761 = arith.addf %scan3A_754, %get3A_760 : vector<16xf32>
        scf.yield %add3A_761 : vector<16xf32>
      }
      %scan3A_28 = arith.constant 19 : i32
      %mul3A_29 = arith.constant 5.000000e-02 : f32
      %mul3A_30 = vector.broadcast %mul3A_29 : f32 to vector<16xf32>
      %mul3A_31 = arith.mulf %scan3A_27, %mul3A_30 : vector<16xf32>
      %mul3A_32 = arith.constant 4 : i32
      %mul3A_33 = arith.muli %scan3A_8, %mul3A_32 : i32
      %add3A_34 = arith.constant 0 : i32
      %add3A_35 = arith.addi %mul3A_33, %add3A_34 : i32
      %swap3A = arith.index_cast %add3A_35 : i32 to index
      %swap3A_36 = arith.constant 0 : index
      %swap3A_37 = tpu.vector_load %arg7[%swap3A, %swap3A_36] {strides = array<i32>} : memref<128x128xf32, #tpu.memory_space<vmem>>, vector<1x16xf32>,
      %swap3A_38 = vector.shape_cast %swap3A_37 : vector<1x16xf32> to vector<16xf32>
      %swap3A_39 = vector.shape_cast %mul3A_31 : vector<16xf32> to vector<1x16xf32>
      tpu.vector_store %arg7[%swap3A, %swap3A_36], %swap3A_39 {strides = array<i32>} : memref<128x128xf32, #tpu.memory_space<vmem>>, vector<1x16xf32>,
      %get3A_40 = arith.constant 0 : i32
      %get3A_41 = arith.index_cast %get3A_40 : i32 to index
      %get3A_42 = arith.constant 16 : index
      %get3A_43 = tpu.vector_load %arg6[%get3A_41, %get3A_42] {strides = array<i32>} : memref<80x128xf32, #tpu.memory_space<vmem>>, vector<1x16xf32>,
      %get3A_44 = vector.shape_cast %get3A_43 : vector<1x16xf32> to vector<16xf32>
      %scan3A_45 = arith.constant 1 : i32
      %scan3A_46 = arith.constant 19 : i32
      %scan3A_47 = arith.addi %scan3A_45, %scan3A_46 : i32
      %scan3A_48 = arith.constant 1 : i32
      %scan3A_49 = scf.for %scan3A_753 = %scan3A_45 to %scan3A_47 step %scan3A_48 iter_args(%scan3A_754 = %get3A_44) -> (vector<16xf32>)  : i32 {
        %add3A_755 = arith.constant 0 : i32
        %add3A_756 = arith.addi %add3A_755, %scan3A_753 : i32
        %get3A_757 = arith.index_cast %add3A_756 : i32 to index
        %get3A_758 = arith.constant 16 : index
        %get3A_759 = tpu.vector_load %arg6[%get3A_757, %get3A_758] {strides = array<i32>} : memref<80x128xf32, #tpu.memory_space<vmem>>, vector<1x16xf32>,
        %get3A_760 = vector.shape_cast %get3A_759 : vector<1x16xf32> to vector<16xf32>
        %add3A_761 = arith.addf %scan3A_754, %get3A_760 : vector<16xf32>
        scf.yield %add3A_761 : vector<16xf32>
      }
      %scan3A_50 = arith.constant 19 : i32
      %mul3A_51 = arith.constant 5.000000e-02 : f32
      %mul3A_52 = vector.broadcast %mul3A_51 : f32 to vector<16xf32>
      %mul3A_53 = arith.mulf %scan3A_49, %mul3A_52 : vector<16xf32>
      %mul3A_54 = arith.constant 4 : i32
      %mul3A_55 = arith.muli %scan3A_8, %mul3A_54 : i32
      %add3A_56 = arith.constant 0 : i32
      %add3A_57 = arith.addi %mul3A_55, %add3A_56 : i32
      %swap3A_58 = arith.index_cast %add3A_57 : i32 to index
      %swap3A_59 = arith.constant 16 : index
      %swap3A_60 = tpu.vector_load %arg7[%swap3A_58, %swap3A_59] {strides = array<i32>} : memref<128x128xf32, #tpu.memory_space<vmem>>, vector<1x16xf32>,
      %swap3A_61 = vector.shape_cast %swap3A_60 : vector<1x16xf32> to vector<16xf32>
      %swap3A_62 = vector.shape_cast %mul3A_53 : vector<16xf32> to vector<1x16xf32>
      tpu.vector_store %arg7[%swap3A_58, %swap3A_59], %swap3A_62 {strides = array<i32>} : memref<128x128xf32, #tpu.memory_space<vmem>>, vector<1x16xf32>,
      %get3A_63 = arith.constant 0 : i32
      %get3A_64 = arith.index_cast %get3A_63 : i32 to index
      %get3A_65 = arith.constant 32 : index
      %get3A_66 = tpu.vector_load %arg6[%get3A_64, %get3A_65] {strides = array<i32>} : memref<80x128xf32, #tpu.memory_space<vmem>>, vector<1x16xf32>,
      %get3A_67 = vector.shape_cast %get3A_66 : vector<1x16xf32> to vector<16xf32>
      %scan3A_68 = arith.constant 1 : i32
      %scan3A_69 = arith.constant 19 : i32
      %scan3A_70 = arith.addi %scan3A_68, %scan3A_69 : i32
      %scan3A_71 = arith.constant 1 : i32
      %scan3A_72 = scf.for %scan3A_753 = %scan3A_68 to %scan3A_70 step %scan3A_71 iter_args(%scan3A_754 = %get3A_67) -> (vector<16xf32>)  : i32 {
        %add3A_755 = arith.constant 0 : i32
        %add3A_756 = arith.addi %add3A_755, %scan3A_753 : i32
        %get3A_757 = arith.index_cast %add3A_756 : i32 to index
        %get3A_758 = arith.constant 32 : index
        %get3A_759 = tpu.vector_load %arg6[%get3A_757, %get3A_758] {strides = array<i32>} : memref<80x128xf32, #tpu.memory_space<vmem>>, vector<1x16xf32>,
        %get3A_760 = vector.shape_cast %get3A_759 : vector<1x16xf32> to vector<16xf32>
        %add3A_761 = arith.addf %scan3A_754, %get3A_760 : vector<16xf32>
        scf.yield %add3A_761 : vector<16xf32>
      }
      %scan3A_73 = arith.constant 19 : i32
      %mul3A_74 = arith.constant 5.000000e-02 : f32
      %mul3A_75 = vector.broadcast %mul3A_74 : f32 to vector<16xf32>
      %mul3A_76 = arith.mulf %scan3A_72, %mul3A_75 : vector<16xf32>
      %mul3A_77 = arith.constant 4 : i32
      %mul3A_78 = arith.muli %scan3A_8, %mul3A_77 : i32
      %add3A_79 = arith.constant 0 : i32
      %add3A_80 = arith.addi %mul3A_78, %add3A_79 : i32
      %swap3A_81 = arith.index_cast %add3A_80 : i32 to index
      %swap3A_82 = arith.constant 32 : index
      %swap3A_83 = tpu.vector_load %arg7[%swap3A_81, %swap3A_82] {strides = array<i32>} : memref<128x128xf32, #tpu.memory_space<vmem>>, vector<1x16xf32>,
      %swap3A_84 = vector.shape_cast %swap3A_83 : vector<1x16xf32> to vector<16xf32>
      %swap3A_85 = vector.shape_cast %mul3A_76 : vector<16xf32> to vector<1x16xf32>
      tpu.vector_store %arg7[%swap3A_81, %swap3A_82], %swap3A_85 {strides = array<i32>} : memref<128x128xf32, #tpu.memory_space<vmem>>, vector<1x16xf32>,
      %get3A_86 = arith.constant 0 : i32
      %get3A_87 = arith.index_cast %get3A_86 : i32 to index
      %get3A_88 = arith.constant 48 : index
      %get3A_89 = tpu.vector_load %arg6[%get3A_87, %get3A_88] {strides = array<i32>} : memref<80x128xf32, #tpu.memory_space<vmem>>, vector<1x16xf32>,
      %get3A_90 = vector.shape_cast %get3A_89 : vector<1x16xf32> to vector<16xf32>
      %scan3A_91 = arith.constant 1 : i32
      %scan3A_92 = arith.constant 19 : i32
      %scan3A_93 = arith.addi %scan3A_91, %scan3A_92 : i32
      %scan3A_94 = arith.constant 1 : i32
      %scan3A_95 = scf.for %scan3A_753 = %scan3A_91 to %scan3A_93 step %scan3A_94 iter_args(%scan3A_754 = %get3A_90) -> (vector<16xf32>)  : i32 {
        %add3A_755 = arith.constant 0 : i32
        %add3A_756 = arith.addi %add3A_755, %scan3A_753 : i32
        %get3A_757 = arith.index_cast %add3A_756 : i32 to index
        %get3A_758 = arith.constant 48 : index
        %get3A_759 = tpu.vector_load %arg6[%get3A_757, %get3A_758] {strides = array<i32>} : memref<80x128xf32, #tpu.memory_space<vmem>>, vector<1x16xf32>,
        %get3A_760 = vector.shape_cast %get3A_759 : vector<1x16xf32> to vector<16xf32>
        %add3A_761 = arith.addf %scan3A_754, %get3A_760 : vector<16xf32>
        scf.yield %add3A_761 : vector<16xf32>
      }
      %scan3A_96 = arith.constant 19 : i32
      %mul3A_97 = arith.constant 5.000000e-02 : f32
      %mul3A_98 = vector.broadcast %mul3A_97 : f32 to vector<16xf32>
      %mul3A_99 = arith.mulf %scan3A_95, %mul3A_98 : vector<16xf32>
      %mul3A_100 = arith.constant 4 : i32
      %mul3A_101 = arith.muli %scan3A_8, %mul3A_100 : i32
      %add3A_102 = arith.constant 0 : i32
      %add3A_103 = arith.addi %mul3A_101, %add3A_102 : i32
      %swap3A_104 = arith.index_cast %add3A_103 : i32 to index
      %swap3A_105 = arith.constant 48 : index
      %swap3A_106 = tpu.vector_load %arg7[%swap3A_104, %swap3A_105] {strides = array<i32>} : memref<128x128xf32, #tpu.memory_space<vmem>>, vector<1x16xf32>,
      %swap3A_107 = vector.shape_cast %swap3A_106 : vector<1x16xf32> to vector<16xf32>
      %swap3A_108 = vector.shape_cast %mul3A_99 : vector<16xf32> to vector<1x16xf32>
      tpu.vector_store %arg7[%swap3A_104, %swap3A_105], %swap3A_108 {strides = array<i32>} : memref<128x128xf32, #tpu.memory_space<vmem>>, vector<1x16xf32>,
      %get3A_109 = arith.constant 0 : i32
      %get3A_110 = arith.index_cast %get3A_109 : i32 to index
      %get3A_111 = arith.constant 64 : index
      %get3A_112 = tpu.vector_load %arg6[%get3A_110, %get3A_111] {strides = array<i32>} : memref<80x128xf32, #tpu.memory_space<vmem>>, vector<1x16xf32>,
      %get3A_113 = vector.shape_cast %get3A_112 : vector<1x16xf32> to vector<16xf32>
      %scan3A_114 = arith.constant 1 : i32
      %scan3A_115 = arith.constant 19 : i32
      %scan3A_116 = arith.addi %scan3A_114, %scan3A_115 : i32
      %scan3A_117 = arith.constant 1 : i32
      %scan3A_118 = scf.for %scan3A_753 = %scan3A_114 to %scan3A_116 step %scan3A_117 iter_args(%scan3A_754 = %get3A_113) -> (vector<16xf32>)  : i32 {
        %add3A_755 = arith.constant 0 : i32
        %add3A_756 = arith.addi %add3A_755, %scan3A_753 : i32
        %get3A_757 = arith.index_cast %add3A_756 : i32 to index
        %get3A_758 = arith.constant 64 : index
        %get3A_759 = tpu.vector_load %arg6[%get3A_757, %get3A_758] {strides = array<i32>} : memref<80x128xf32, #tpu.memory_space<vmem>>, vector<1x16xf32>,
        %get3A_760 = vector.shape_cast %get3A_759 : vector<1x16xf32> to vector<16xf32>
        %add3A_761 = arith.addf %scan3A_754, %get3A_760 : vector<16xf32>
        scf.yield %add3A_761 : vector<16xf32>
      }
      %scan3A_119 = arith.constant 19 : i32
      %mul3A_120 = arith.constant 5.000000e-02 : f32
      %mul3A_121 = vector.broadcast %mul3A_120 : f32 to vector<16xf32>
      %mul3A_122 = arith.mulf %scan3A_118, %mul3A_121 : vector<16xf32>
      %mul3A_123 = arith.constant 4 : i32
      %mul3A_124 = arith.muli %scan3A_8, %mul3A_123 : i32
      %add3A_125 = arith.constant 0 : i32
      %add3A_126 = arith.addi %mul3A_124, %add3A_125 : i32
      %swap3A_127 = arith.index_cast %add3A_126 : i32 to index
      %swap3A_128 = arith.constant 64 : index
      %swap3A_129 = tpu.vector_load %arg7[%swap3A_127, %swap3A_128] {strides = array<i32>} : memref<128x128xf32, #tpu.memory_space<vmem>>, vector<1x16xf32>,
      %swap3A_130 = vector.shape_cast %swap3A_129 : vector<1x16xf32> to vector<16xf32>
      %swap3A_131 = vector.shape_cast %mul3A_122 : vector<16xf32> to vector<1x16xf32>
      tpu.vector_store %arg7[%swap3A_127, %swap3A_128], %swap3A_131 {strides = array<i32>} : memref<128x128xf32, #tpu.memory_space<vmem>>, vector<1x16xf32>,
      %get3A_132 = arith.constant 0 : i32
      %get3A_133 = arith.index_cast %get3A_132 : i32 to index
      %get3A_134 = arith.constant 80 : index
      %get3A_135 = tpu.vector_load %arg6[%get3A_133, %get3A_134] {strides = array<i32>} : memref<80x128xf32, #tpu.memory_space<vmem>>, vector<1x16xf32>,
      %get3A_136 = vector.shape_cast %get3A_135 : vector<1x16xf32> to vector<16xf32>
      %scan3A_137 = arith.constant 1 : i32
      %scan3A_138 = arith.constant 19 : i32
      %scan3A_139 = arith.addi %scan3A_137, %scan3A_138 : i32
      %scan3A_140 = arith.constant 1 : i32
      %scan3A_141 = scf.for %scan3A_753 = %scan3A_137 to %scan3A_139 step %scan3A_140 iter_args(%scan3A_754 = %get3A_136) -> (vector<16xf32>)  : i32 {
        %add3A_755 = arith.constant 0 : i32
        %add3A_756 = arith.addi %add3A_755, %scan3A_753 : i32
        %get3A_757 = arith.index_cast %add3A_756 : i32 to index
        %get3A_758 = arith.constant 80 : index
        %get3A_759 = tpu.vector_load %arg6[%get3A_757, %get3A_758] {strides = array<i32>} : memref<80x128xf32, #tpu.memory_space<vmem>>, vector<1x16xf32>,
        %get3A_760 = vector.shape_cast %get3A_759 : vector<1x16xf32> to vector<16xf32>
        %add3A_761 = arith.addf %scan3A_754, %get3A_760 : vector<16xf32>
        scf.yield %add3A_761 : vector<16xf32>
      }
      %scan3A_142 = arith.constant 19 : i32
      %mul3A_143 = arith.constant 5.000000e-02 : f32
      %mul3A_144 = vector.broadcast %mul3A_143 : f32 to vector<16xf32>
      %mul3A_145 = arith.mulf %scan3A_141, %mul3A_144 : vector<16xf32>
      %mul3A_146 = arith.constant 4 : i32
      %mul3A_147 = arith.muli %scan3A_8, %mul3A_146 : i32
      %add3A_148 = arith.constant 0 : i32
      %add3A_149 = arith.addi %mul3A_147, %add3A_148 : i32
      %swap3A_150 = arith.index_cast %add3A_149 : i32 to index
      %swap3A_151 = arith.constant 80 : index
      %swap3A_152 = tpu.vector_load %arg7[%swap3A_150, %swap3A_151] {strides = array<i32>} : memref<128x128xf32, #tpu.memory_space<vmem>>, vector<1x16xf32>,
      %swap3A_153 = vector.shape_cast %swap3A_152 : vector<1x16xf32> to vector<16xf32>
      %swap3A_154 = vector.shape_cast %mul3A_145 : vector<16xf32> to vector<1x16xf32>
      tpu.vector_store %arg7[%swap3A_150, %swap3A_151], %swap3A_154 {strides = array<i32>} : memref<128x128xf32, #tpu.memory_space<vmem>>, vector<1x16xf32>,
      %get3A_155 = arith.constant 0 : i32
      %get3A_156 = arith.index_cast %get3A_155 : i32 to index
      %get3A_157 = arith.constant 96 : index
      %get3A_158 = tpu.vector_load %arg6[%get3A_156, %get3A_157] {strides = array<i32>} : memref<80x128xf32, #tpu.memory_space<vmem>>, vector<1x16xf32>,
      %get3A_159 = vector.shape_cast %get3A_158 : vector<1x16xf32> to vector<16xf32>
      %scan3A_160 = arith.constant 1 : i32
      %scan3A_161 = arith.constant 19 : i32
      %scan3A_162 = arith.addi %scan3A_160, %scan3A_161 : i32
      %scan3A_163 = arith.constant 1 : i32
      %scan3A_164 = scf.for %scan3A_753 = %scan3A_160 to %scan3A_162 step %scan3A_163 iter_args(%scan3A_754 = %get3A_159) -> (vector<16xf32>)  : i32 {
        %add3A_755 = arith.constant 0 : i32
        %add3A_756 = arith.addi %add3A_755, %scan3A_753 : i32
        %get3A_757 = arith.index_cast %add3A_756 : i32 to index
        %get3A_758 = arith.constant 96 : index
        %get3A_759 = tpu.vector_load %arg6[%get3A_757, %get3A_758] {strides = array<i32>} : memref<80x128xf32, #tpu.memory_space<vmem>>, vector<1x16xf32>,
        %get3A_760 = vector.shape_cast %get3A_759 : vector<1x16xf32> to vector<16xf32>
        %add3A_761 = arith.addf %scan3A_754, %get3A_760 : vector<16xf32>
        scf.yield %add3A_761 : vector<16xf32>
      }
      %scan3A_165 = arith.constant 19 : i32
      %mul3A_166 = arith.constant 5.000000e-02 : f32
      %mul3A_167 = vector.broadcast %mul3A_166 : f32 to vector<16xf32>
      %mul3A_168 = arith.mulf %scan3A_164, %mul3A_167 : vector<16xf32>
      %mul3A_169 = arith.constant 4 : i32
      %mul3A_170 = arith.muli %scan3A_8, %mul3A_169 : i32
      %add3A_171 = arith.constant 0 : i32
      %add3A_172 = arith.addi %mul3A_170, %add3A_171 : i32
      %swap3A_173 = arith.index_cast %add3A_172 : i32 to index
      %swap3A_174 = arith.constant 96 : index
      %swap3A_175 = tpu.vector_load %arg7[%swap3A_173, %swap3A_174] {strides = array<i32>} : memref<128x128xf32, #tpu.memory_space<vmem>>, vector<1x16xf32>,
      %swap3A_176 = vector.shape_cast %swap3A_175 : vector<1x16xf32> to vector<16xf32>
      %swap3A_177 = vector.shape_cast %mul3A_168 : vector<16xf32> to vector<1x16xf32>
      tpu.vector_store %arg7[%swap3A_173, %swap3A_174], %swap3A_177 {strides = array<i32>} : memref<128x128xf32, #tpu.memory_space<vmem>>, vector<1x16xf32>,
      %get3A_178 = arith.constant 0 : i32
      %get3A_179 = arith.index_cast %get3A_178 : i32 to index
      %get3A_180 = arith.constant 112 : index
      %get3A_181 = tpu.vector_load %arg6[%get3A_179, %get3A_180] {strides = array<i32>} : memref<80x128xf32, #tpu.memory_space<vmem>>, vector<1x16xf32>,
      %get3A_182 = vector.shape_cast %get3A_181 : vector<1x16xf32> to vector<16xf32>
      %scan3A_183 = arith.constant 1 : i32
      %scan3A_184 = arith.constant 19 : i32
      %scan3A_185 = arith.addi %scan3A_183, %scan3A_184 : i32
      %scan3A_186 = arith.constant 1 : i32
      %scan3A_187 = scf.for %scan3A_753 = %scan3A_183 to %scan3A_185 step %scan3A_186 iter_args(%scan3A_754 = %get3A_182) -> (vector<16xf32>)  : i32 {
        %add3A_755 = arith.constant 0 : i32
        %add3A_756 = arith.addi %add3A_755, %scan3A_753 : i32
        %get3A_757 = arith.index_cast %add3A_756 : i32 to index
        %get3A_758 = arith.constant 112 : index
        %get3A_759 = tpu.vector_load %arg6[%get3A_757, %get3A_758] {strides = array<i32>} : memref<80x128xf32, #tpu.memory_space<vmem>>, vector<1x16xf32>,
        %get3A_760 = vector.shape_cast %get3A_759 : vector<1x16xf32> to vector<16xf32>
        %add3A_761 = arith.addf %scan3A_754, %get3A_760 : vector<16xf32>
        scf.yield %add3A_761 : vector<16xf32>
      }
      %scan3A_188 = arith.constant 19 : i32
      %mul3A_189 = arith.constant 5.000000e-02 : f32
      %mul3A_190 = vector.broadcast %mul3A_189 : f32 to vector<16xf32>
      %mul3A_191 = arith.mulf %scan3A_187, %mul3A_190 : vector<16xf32>
      %mul3A_192 = arith.constant 4 : i32
      %mul3A_193 = arith.muli %scan3A_8, %mul3A_192 : i32
      %add3A_194 = arith.constant 0 : i32
      %add3A_195 = arith.addi %mul3A_193, %add3A_194 : i32
      %swap3A_196 = arith.index_cast %add3A_195 : i32 to index
      %swap3A_197 = arith.constant 112 : index
      %swap3A_198 = tpu.vector_load %arg7[%swap3A_196, %swap3A_197] {strides = array<i32>} : memref<128x128xf32, #tpu.memory_space<vmem>>, vector<1x16xf32>,
      %swap3A_199 = vector.shape_cast %swap3A_198 : vector<1x16xf32> to vector<16xf32>
      %swap3A_200 = vector.shape_cast %mul3A_191 : vector<16xf32> to vector<1x16xf32>
      tpu.vector_store %arg7[%swap3A_196, %swap3A_197], %swap3A_200 {strides = array<i32>} : memref<128x128xf32, #tpu.memory_space<vmem>>, vector<1x16xf32>,
      %get3A_201 = arith.constant 20 : i32
      %get3A_202 = arith.index_cast %get3A_201 : i32 to index
      %get3A_203 = arith.constant 0 : index
      %get3A_204 = tpu.vector_load %arg6[%get3A_202, %get3A_203] {strides = array<i32>} : memref<80x128xf32, #tpu.memory_space<vmem>>, vector<1x16xf32>,
      %get3A_205 = vector.shape_cast %get3A_204 : vector<1x16xf32> to vector<16xf32>
      %scan3A_206 = arith.constant 1 : i32
      %scan3A_207 = arith.constant 19 : i32
      %scan3A_208 = arith.addi %scan3A_206, %scan3A_207 : i32
      %scan3A_209 = arith.constant 1 : i32
      %scan3A_210 = scf.for %scan3A_753 = %scan3A_206 to %scan3A_208 step %scan3A_209 iter_args(%scan3A_754 = %get3A_205) -> (vector<16xf32>)  : i32 {
        %add3A_755 = arith.constant 20 : i32
        %add3A_756 = arith.addi %add3A_755, %scan3A_753 : i32
        %get3A_757 = arith.index_cast %add3A_756 : i32 to index
        %get3A_758 = arith.constant 0 : index
        %get3A_759 = tpu.vector_load %arg6[%get3A_757, %get3A_758] {strides = array<i32>} : memref<80x128xf32, #tpu.memory_space<vmem>>, vector<1x16xf32>,
        %get3A_760 = vector.shape_cast %get3A_759 : vector<1x16xf32> to vector<16xf32>
        %add3A_761 = arith.addf %scan3A_754, %get3A_760 : vector<16xf32>
        scf.yield %add3A_761 : vector<16xf32>
      }
      %scan3A_211 = arith.constant 19 : i32
      %mul3A_212 = arith.constant 5.000000e-02 : f32
      %mul3A_213 = vector.broadcast %mul3A_212 : f32 to vector<16xf32>
      %mul3A_214 = arith.mulf %scan3A_210, %mul3A_213 : vector<16xf32>
      %mul3A_215 = arith.constant 4 : i32
      %mul3A_216 = arith.muli %scan3A_8, %mul3A_215 : i32
      %add3A_217 = arith.constant 1 : i32
      %add3A_218 = arith.addi %mul3A_216, %add3A_217 : i32
      %swap3A_219 = arith.index_cast %add3A_218 : i32 to index
      %swap3A_220 = arith.constant 0 : index
      %swap3A_221 = tpu.vector_load %arg7[%swap3A_219, %swap3A_220] {strides = array<i32>} : memref<128x128xf32, #tpu.memory_space<vmem>>, vector<1x16xf32>,
      %swap3A_222 = vector.shape_cast %swap3A_221 : vector<1x16xf32> to vector<16xf32>
      %swap3A_223 = vector.shape_cast %mul3A_214 : vector<16xf32> to vector<1x16xf32>
      tpu.vector_store %arg7[%swap3A_219, %swap3A_220], %swap3A_223 {strides = array<i32>} : memref<128x128xf32, #tpu.memory_space<vmem>>, vector<1x16xf32>,
      %get3A_224 = arith.constant 20 : i32
      %get3A_225 = arith.index_cast %get3A_224 : i32 to index
      %get3A_226 = arith.constant 16 : index
      %get3A_227 = tpu.vector_load %arg6[%get3A_225, %get3A_226] {strides = array<i32>} : memref<80x128xf32, #tpu.memory_space<vmem>>, vector<1x16xf32>,
      %get3A_228 = vector.shape_cast %get3A_227 : vector<1x16xf32> to vector<16xf32>
      %scan3A_229 = arith.constant 1 : i32
      %scan3A_230 = arith.constant 19 : i32
      %scan3A_231 = arith.addi %scan3A_229, %scan3A_230 : i32
      %scan3A_232 = arith.constant 1 : i32
      %scan3A_233 = scf.for %scan3A_753 = %scan3A_229 to %scan3A_231 step %scan3A_232 iter_args(%scan3A_754 = %get3A_228) -> (vector<16xf32>)  : i32 {
        %add3A_755 = arith.constant 20 : i32
        %add3A_756 = arith.addi %add3A_755, %scan3A_753 : i32
        %get3A_757 = arith.index_cast %add3A_756 : i32 to index
        %get3A_758 = arith.constant 16 : index
        %get3A_759 = tpu.vector_load %arg6[%get3A_757, %get3A_758] {strides = array<i32>} : memref<80x128xf32, #tpu.memory_space<vmem>>, vector<1x16xf32>,
        %get3A_760 = vector.shape_cast %get3A_759 : vector<1x16xf32> to vector<16xf32>
        %add3A_761 = arith.addf %scan3A_754, %get3A_760 : vector<16xf32>
        scf.yield %add3A_761 : vector<16xf32>
      }
      %scan3A_234 = arith.constant 19 : i32
      %mul3A_235 = arith.constant 5.000000e-02 : f32
      %mul3A_236 = vector.broadcast %mul3A_235 : f32 to vector<16xf32>
      %mul3A_237 = arith.mulf %scan3A_233, %mul3A_236 : vector<16xf32>
      %mul3A_238 = arith.constant 4 : i32
      %mul3A_239 = arith.muli %scan3A_8, %mul3A_238 : i32
      %add3A_240 = arith.constant 1 : i32
      %add3A_241 = arith.addi %mul3A_239, %add3A_240 : i32
      %swap3A_242 = arith.index_cast %add3A_241 : i32 to index
      %swap3A_243 = arith.constant 16 : index
      %swap3A_244 = tpu.vector_load %arg7[%swap3A_242, %swap3A_243] {strides = array<i32>} : memref<128x128xf32, #tpu.memory_space<vmem>>, vector<1x16xf32>,
      %swap3A_245 = vector.shape_cast %swap3A_244 : vector<1x16xf32> to vector<16xf32>
      %swap3A_246 = vector.shape_cast %mul3A_237 : vector<16xf32> to vector<1x16xf32>
      tpu.vector_store %arg7[%swap3A_242, %swap3A_243], %swap3A_246 {strides = array<i32>} : memref<128x128xf32, #tpu.memory_space<vmem>>, vector<1x16xf32>,
      %get3A_247 = arith.constant 20 : i32
      %get3A_248 = arith.index_cast %get3A_247 : i32 to index
      %get3A_249 = arith.constant 32 : index
      %get3A_250 = tpu.vector_load %arg6[%get3A_248, %get3A_249] {strides = array<i32>} : memref<80x128xf32, #tpu.memory_space<vmem>>, vector<1x16xf32>,
      %get3A_251 = vector.shape_cast %get3A_250 : vector<1x16xf32> to vector<16xf32>
      %scan3A_252 = arith.constant 1 : i32
      %scan3A_253 = arith.constant 19 : i32
      %scan3A_254 = arith.addi %scan3A_252, %scan3A_253 : i32
      %scan3A_255 = arith.constant 1 : i32
      %scan3A_256 = scf.for %scan3A_753 = %scan3A_252 to %scan3A_254 step %scan3A_255 iter_args(%scan3A_754 = %get3A_251) -> (vector<16xf32>)  : i32 {
        %add3A_755 = arith.constant 20 : i32
        %add3A_756 = arith.addi %add3A_755, %scan3A_753 : i32
        %get3A_757 = arith.index_cast %add3A_756 : i32 to index
        %get3A_758 = arith.constant 32 : index
        %get3A_759 = tpu.vector_load %arg6[%get3A_757, %get3A_758] {strides = array<i32>} : memref<80x128xf32, #tpu.memory_space<vmem>>, vector<1x16xf32>,
        %get3A_760 = vector.shape_cast %get3A_759 : vector<1x16xf32> to vector<16xf32>
        %add3A_761 = arith.addf %scan3A_754, %get3A_760 : vector<16xf32>
        scf.yield %add3A_761 : vector<16xf32>
      }
      %scan3A_257 = arith.constant 19 : i32
      %mul3A_258 = arith.constant 5.000000e-02 : f32
      %mul3A_259 = vector.broadcast %mul3A_258 : f32 to vector<16xf32>
      %mul3A_260 = arith.mulf %scan3A_256, %mul3A_259 : vector<16xf32>
      %mul3A_261 = arith.constant 4 : i32
      %mul3A_262 = arith.muli %scan3A_8, %mul3A_261 : i32
      %add3A_263 = arith.constant 1 : i32
      %add3A_264 = arith.addi %mul3A_262, %add3A_263 : i32
      %swap3A_265 = arith.index_cast %add3A_264 : i32 to index
      %swap3A_266 = arith.constant 32 : index
      %swap3A_267 = tpu.vector_load %arg7[%swap3A_265, %swap3A_266] {strides = array<i32>} : memref<128x128xf32, #tpu.memory_space<vmem>>, vector<1x16xf32>,
      %swap3A_268 = vector.shape_cast %swap3A_267 : vector<1x16xf32> to vector<16xf32>
      %swap3A_269 = vector.shape_cast %mul3A_260 : vector<16xf32> to vector<1x16xf32>
      tpu.vector_store %arg7[%swap3A_265, %swap3A_266], %swap3A_269 {strides = array<i32>} : memref<128x128xf32, #tpu.memory_space<vmem>>, vector<1x16xf32>,
      %get3A_270 = arith.constant 20 : i32
      %get3A_271 = arith.index_cast %get3A_270 : i32 to index
      %get3A_272 = arith.constant 48 : index
      %get3A_273 = tpu.vector_load %arg6[%get3A_271, %get3A_272] {strides = array<i32>} : memref<80x128xf32, #tpu.memory_space<vmem>>, vector<1x16xf32>,
      %get3A_274 = vector.shape_cast %get3A_273 : vector<1x16xf32> to vector<16xf32>
      %scan3A_275 = arith.constant 1 : i32
      %scan3A_276 = arith.constant 19 : i32
      %scan3A_277 = arith.addi %scan3A_275, %scan3A_276 : i32
      %scan3A_278 = arith.constant 1 : i32
      %scan3A_279 = scf.for %scan3A_753 = %scan3A_275 to %scan3A_277 step %scan3A_278 iter_args(%scan3A_754 = %get3A_274) -> (vector<16xf32>)  : i32 {
        %add3A_755 = arith.constant 20 : i32
        %add3A_756 = arith.addi %add3A_755, %scan3A_753 : i32
        %get3A_757 = arith.index_cast %add3A_756 : i32 to index
        %get3A_758 = arith.constant 48 : index
        %get3A_759 = tpu.vector_load %arg6[%get3A_757, %get3A_758] {strides = array<i32>} : memref<80x128xf32, #tpu.memory_space<vmem>>, vector<1x16xf32>,
        %get3A_760 = vector.shape_cast %get3A_759 : vector<1x16xf32> to vector<16xf32>
        %add3A_761 = arith.addf %scan3A_754, %get3A_760 : vector<16xf32>
        scf.yield %add3A_761 : vector<16xf32>
      }
      %scan3A_280 = arith.constant 19 : i32
      %mul3A_281 = arith.constant 5.000000e-02 : f32
      %mul3A_282 = vector.broadcast %mul3A_281 : f32 to vector<16xf32>
      %mul3A_283 = arith.mulf %scan3A_279, %mul3A_282 : vector<16xf32>
      %mul3A_284 = arith.constant 4 : i32
      %mul3A_285 = arith.muli %scan3A_8, %mul3A_284 : i32
      %add3A_286 = arith.constant 1 : i32
      %add3A_287 = arith.addi %mul3A_285, %add3A_286 : i32
      %swap3A_288 = arith.index_cast %add3A_287 : i32 to index
      %swap3A_289 = arith.constant 48 : index
      %swap3A_290 = tpu.vector_load %arg7[%swap3A_288, %swap3A_289] {strides = array<i32>} : memref<128x128xf32, #tpu.memory_space<vmem>>, vector<1x16xf32>,
      %swap3A_291 = vector.shape_cast %swap3A_290 : vector<1x16xf32> to vector<16xf32>
      %swap3A_292 = vector.shape_cast %mul3A_283 : vector<16xf32> to vector<1x16xf32>
      tpu.vector_store %arg7[%swap3A_288, %swap3A_289], %swap3A_292 {strides = array<i32>} : memref<128x128xf32, #tpu.memory_space<vmem>>, vector<1x16xf32>,
      %get3A_293 = arith.constant 20 : i32
      %get3A_294 = arith.index_cast %get3A_293 : i32 to index
      %get3A_295 = arith.constant 64 : index
      %get3A_296 = tpu.vector_load %arg6[%get3A_294, %get3A_295] {strides = array<i32>} : memref<80x128xf32, #tpu.memory_space<vmem>>, vector<1x16xf32>,
      %get3A_297 = vector.shape_cast %get3A_296 : vector<1x16xf32> to vector<16xf32>
      %scan3A_298 = arith.constant 1 : i32
      %scan3A_299 = arith.constant 19 : i32
      %scan3A_300 = arith.addi %scan3A_298, %scan3A_299 : i32
      %scan3A_301 = arith.constant 1 : i32
      %scan3A_302 = scf.for %scan3A_753 = %scan3A_298 to %scan3A_300 step %scan3A_301 iter_args(%scan3A_754 = %get3A_297) -> (vector<16xf32>)  : i32 {
        %add3A_755 = arith.constant 20 : i32
        %add3A_756 = arith.addi %add3A_755, %scan3A_753 : i32
        %get3A_757 = arith.index_cast %add3A_756 : i32 to index
        %get3A_758 = arith.constant 64 : index
        %get3A_759 = tpu.vector_load %arg6[%get3A_757, %get3A_758] {strides = array<i32>} : memref<80x128xf32, #tpu.memory_space<vmem>>, vector<1x16xf32>,
        %get3A_760 = vector.shape_cast %get3A_759 : vector<1x16xf32> to vector<16xf32>
        %add3A_761 = arith.addf %scan3A_754, %get3A_760 : vector<16xf32>
        scf.yield %add3A_761 : vector<16xf32>
      }
      %scan3A_303 = arith.constant 19 : i32
      %mul3A_304 = arith.constant 5.000000e-02 : f32
      %mul3A_305 = vector.broadcast %mul3A_304 : f32 to vector<16xf32>
      %mul3A_306 = arith.mulf %scan3A_302, %mul3A_305 : vector<16xf32>
      %mul3A_307 = arith.constant 4 : i32
      %mul3A_308 = arith.muli %scan3A_8, %mul3A_307 : i32
      %add3A_309 = arith.constant 1 : i32
      %add3A_310 = arith.addi %mul3A_308, %add3A_309 : i32
      %swap3A_311 = arith.index_cast %add3A_310 : i32 to index
      %swap3A_312 = arith.constant 64 : index
      %swap3A_313 = tpu.vector_load %arg7[%swap3A_311, %swap3A_312] {strides = array<i32>} : memref<128x128xf32, #tpu.memory_space<vmem>>, vector<1x16xf32>,
      %swap3A_314 = vector.shape_cast %swap3A_313 : vector<1x16xf32> to vector<16xf32>
      %swap3A_315 = vector.shape_cast %mul3A_306 : vector<16xf32> to vector<1x16xf32>
      tpu.vector_store %arg7[%swap3A_311, %swap3A_312], %swap3A_315 {strides = array<i32>} : memref<128x128xf32, #tpu.memory_space<vmem>>, vector<1x16xf32>,
      %get3A_316 = arith.constant 20 : i32
      %get3A_317 = arith.index_cast %get3A_316 : i32 to index
      %get3A_318 = arith.constant 80 : index
      %get3A_319 = tpu.vector_load %arg6[%get3A_317, %get3A_318] {strides = array<i32>} : memref<80x128xf32, #tpu.memory_space<vmem>>, vector<1x16xf32>,
      %get3A_320 = vector.shape_cast %get3A_319 : vector<1x16xf32> to vector<16xf32>
      %scan3A_321 = arith.constant 1 : i32
      %scan3A_322 = arith.constant 19 : i32
      %scan3A_323 = arith.addi %scan3A_321, %scan3A_322 : i32
      %scan3A_324 = arith.constant 1 : i32
      %scan3A_325 = scf.for %scan3A_753 = %scan3A_321 to %scan3A_323 step %scan3A_324 iter_args(%scan3A_754 = %get3A_320) -> (vector<16xf32>)  : i32 {
        %add3A_755 = arith.constant 20 : i32
        %add3A_756 = arith.addi %add3A_755, %scan3A_753 : i32
        %get3A_757 = arith.index_cast %add3A_756 : i32 to index
        %get3A_758 = arith.constant 80 : index
        %get3A_759 = tpu.vector_load %arg6[%get3A_757, %get3A_758] {strides = array<i32>} : memref<80x128xf32, #tpu.memory_space<vmem>>, vector<1x16xf32>,
        %get3A_760 = vector.shape_cast %get3A_759 : vector<1x16xf32> to vector<16xf32>
        %add3A_761 = arith.addf %scan3A_754, %get3A_760 : vector<16xf32>
        scf.yield %add3A_761 : vector<16xf32>
      }
      %scan3A_326 = arith.constant 19 : i32
      %mul3A_327 = arith.constant 5.000000e-02 : f32
      %mul3A_328 = vector.broadcast %mul3A_327 : f32 to vector<16xf32>
      %mul3A_329 = arith.mulf %scan3A_325, %mul3A_328 : vector<16xf32>
      %mul3A_330 = arith.constant 4 : i32
      %mul3A_331 = arith.muli %scan3A_8, %mul3A_330 : i32
      %add3A_332 = arith.constant 1 : i32
      %add3A_333 = arith.addi %mul3A_331, %add3A_332 : i32
      %swap3A_334 = arith.index_cast %add3A_333 : i32 to index
      %swap3A_335 = arith.constant 80 : index
      %swap3A_336 = tpu.vector_load %arg7[%swap3A_334, %swap3A_335] {strides = array<i32>} : memref<128x128xf32, #tpu.memory_space<vmem>>, vector<1x16xf32>,
      %swap3A_337 = vector.shape_cast %swap3A_336 : vector<1x16xf32> to vector<16xf32>
      %swap3A_338 = vector.shape_cast %mul3A_329 : vector<16xf32> to vector<1x16xf32>
      tpu.vector_store %arg7[%swap3A_334, %swap3A_335], %swap3A_338 {strides = array<i32>} : memref<128x128xf32, #tpu.memory_space<vmem>>, vector<1x16xf32>,
      %get3A_339 = arith.constant 20 : i32
      %get3A_340 = arith.index_cast %get3A_339 : i32 to index
      %get3A_341 = arith.constant 96 : index
      %get3A_342 = tpu.vector_load %arg6[%get3A_340, %get3A_341] {strides = array<i32>} : memref<80x128xf32, #tpu.memory_space<vmem>>, vector<1x16xf32>,
      %get3A_343 = vector.shape_cast %get3A_342 : vector<1x16xf32> to vector<16xf32>
      %scan3A_344 = arith.constant 1 : i32
      %scan3A_345 = arith.constant 19 : i32
      %scan3A_346 = arith.addi %scan3A_344, %scan3A_345 : i32
      %scan3A_347 = arith.constant 1 : i32
      %scan3A_348 = scf.for %scan3A_753 = %scan3A_344 to %scan3A_346 step %scan3A_347 iter_args(%scan3A_754 = %get3A_343) -> (vector<16xf32>)  : i32 {
        %add3A_755 = arith.constant 20 : i32
        %add3A_756 = arith.addi %add3A_755, %scan3A_753 : i32
        %get3A_757 = arith.index_cast %add3A_756 : i32 to index
        %get3A_758 = arith.constant 96 : index
        %get3A_759 = tpu.vector_load %arg6[%get3A_757, %get3A_758] {strides = array<i32>} : memref<80x128xf32, #tpu.memory_space<vmem>>, vector<1x16xf32>,
        %get3A_760 = vector.shape_cast %get3A_759 : vector<1x16xf32> to vector<16xf32>
        %add3A_761 = arith.addf %scan3A_754, %get3A_760 : vector<16xf32>
        scf.yield %add3A_761 : vector<16xf32>
      }
      %scan3A_349 = arith.constant 19 : i32
      %mul3A_350 = arith.constant 5.000000e-02 : f32
      %mul3A_351 = vector.broadcast %mul3A_350 : f32 to vector<16xf32>
      %mul3A_352 = arith.mulf %scan3A_348, %mul3A_351 : vector<16xf32>
      %mul3A_353 = arith.constant 4 : i32
      %mul3A_354 = arith.muli %scan3A_8, %mul3A_353 : i32
      %add3A_355 = arith.constant 1 : i32
      %add3A_356 = arith.addi %mul3A_354, %add3A_355 : i32
      %swap3A_357 = arith.index_cast %add3A_356 : i32 to index
      %swap3A_358 = arith.constant 96 : index
      %swap3A_359 = tpu.vector_load %arg7[%swap3A_357, %swap3A_358] {strides = array<i32>} : memref<128x128xf32, #tpu.memory_space<vmem>>, vector<1x16xf32>,
      %swap3A_360 = vector.shape_cast %swap3A_359 : vector<1x16xf32> to vector<16xf32>
      %swap3A_361 = vector.shape_cast %mul3A_352 : vector<16xf32> to vector<1x16xf32>
      tpu.vector_store %arg7[%swap3A_357, %swap3A_358], %swap3A_361 {strides = array<i32>} : memref<128x128xf32, #tpu.memory_space<vmem>>, vector<1x16xf32>,
      %get3A_362 = arith.constant 20 : i32
      %get3A_363 = arith.index_cast %get3A_362 : i32 to index
      %get3A_364 = arith.constant 112 : index
      %get3A_365 = tpu.vector_load %arg6[%get3A_363, %get3A_364] {strides = array<i32>} : memref<80x128xf32, #tpu.memory_space<vmem>>, vector<1x16xf32>,
      %get3A_366 = vector.shape_cast %get3A_365 : vector<1x16xf32> to vector<16xf32>
      %scan3A_367 = arith.constant 1 : i32
      %scan3A_368 = arith.constant 19 : i32
      %scan3A_369 = arith.addi %scan3A_367, %scan3A_368 : i32
      %scan3A_370 = arith.constant 1 : i32
      %scan3A_371 = scf.for %scan3A_753 = %scan3A_367 to %scan3A_369 step %scan3A_370 iter_args(%scan3A_754 = %get3A_366) -> (vector<16xf32>)  : i32 {
        %add3A_755 = arith.constant 20 : i32
        %add3A_756 = arith.addi %add3A_755, %scan3A_753 : i32
        %get3A_757 = arith.index_cast %add3A_756 : i32 to index
        %get3A_758 = arith.constant 112 : index
        %get3A_759 = tpu.vector_load %arg6[%get3A_757, %get3A_758] {strides = array<i32>} : memref<80x128xf32, #tpu.memory_space<vmem>>, vector<1x16xf32>,
        %get3A_760 = vector.shape_cast %get3A_759 : vector<1x16xf32> to vector<16xf32>
        %add3A_761 = arith.addf %scan3A_754, %get3A_760 : vector<16xf32>
        scf.yield %add3A_761 : vector<16xf32>
      }
      %scan3A_372 = arith.constant 19 : i32
      %mul3A_373 = arith.constant 5.000000e-02 : f32
      %mul3A_374 = vector.broadcast %mul3A_373 : f32 to vector<16xf32>
      %mul3A_375 = arith.mulf %scan3A_371, %mul3A_374 : vector<16xf32>
      %mul3A_376 = arith.constant 4 : i32
      %mul3A_377 = arith.muli %scan3A_8, %mul3A_376 : i32
      %add3A_378 = arith.constant 1 : i32
      %add3A_379 = arith.addi %mul3A_377, %add3A_378 : i32
      %swap3A_380 = arith.index_cast %add3A_379 : i32 to index
      %swap3A_381 = arith.constant 112 : index
      %swap3A_382 = tpu.vector_load %arg7[%swap3A_380, %swap3A_381] {strides = array<i32>} : memref<128x128xf32, #tpu.memory_space<vmem>>, vector<1x16xf32>,
      %swap3A_383 = vector.shape_cast %swap3A_382 : vector<1x16xf32> to vector<16xf32>
      %swap3A_384 = vector.shape_cast %mul3A_375 : vector<16xf32> to vector<1x16xf32>
      tpu.vector_store %arg7[%swap3A_380, %swap3A_381], %swap3A_384 {strides = array<i32>} : memref<128x128xf32, #tpu.memory_space<vmem>>, vector<1x16xf32>,
      %get3A_385 = arith.constant 40 : i32
      %get3A_386 = arith.index_cast %get3A_385 : i32 to index
      %get3A_387 = arith.constant 0 : index
      %get3A_388 = tpu.vector_load %arg6[%get3A_386, %get3A_387] {strides = array<i32>} : memref<80x128xf32, #tpu.memory_space<vmem>>, vector<1x16xf32>,
      %get3A_389 = vector.shape_cast %get3A_388 : vector<1x16xf32> to vector<16xf32>
      %scan3A_390 = arith.constant 1 : i32
      %scan3A_391 = arith.constant 19 : i32
      %scan3A_392 = arith.addi %scan3A_390, %scan3A_391 : i32
      %scan3A_393 = arith.constant 1 : i32
      %scan3A_394 = scf.for %scan3A_753 = %scan3A_390 to %scan3A_392 step %scan3A_393 iter_args(%scan3A_754 = %get3A_389) -> (vector<16xf32>)  : i32 {
        %add3A_755 = arith.constant 40 : i32
        %add3A_756 = arith.addi %add3A_755, %scan3A_753 : i32
        %get3A_757 = arith.index_cast %add3A_756 : i32 to index
        %get3A_758 = arith.constant 0 : index
        %get3A_759 = tpu.vector_load %arg6[%get3A_757, %get3A_758] {strides = array<i32>} : memref<80x128xf32, #tpu.memory_space<vmem>>, vector<1x16xf32>,
        %get3A_760 = vector.shape_cast %get3A_759 : vector<1x16xf32> to vector<16xf32>
        %add3A_761 = arith.addf %scan3A_754, %get3A_760 : vector<16xf32>
        scf.yield %add3A_761 : vector<16xf32>
      }
      %scan3A_395 = arith.constant 19 : i32
      %mul3A_396 = arith.constant 5.000000e-02 : f32
      %mul3A_397 = vector.broadcast %mul3A_396 : f32 to vector<16xf32>
      %mul3A_398 = arith.mulf %scan3A_394, %mul3A_397 : vector<16xf32>
      %mul3A_399 = arith.constant 4 : i32
      %mul3A_400 = arith.muli %scan3A_8, %mul3A_399 : i32
      %add3A_401 = arith.constant 2 : i32
      %add3A_402 = arith.addi %mul3A_400, %add3A_401 : i32
      %swap3A_403 = arith.index_cast %add3A_402 : i32 to index
      %swap3A_404 = arith.constant 0 : index
      %swap3A_405 = tpu.vector_load %arg7[%swap3A_403, %swap3A_404] {strides = array<i32>} : memref<128x128xf32, #tpu.memory_space<vmem>>, vector<1x16xf32>,
      %swap3A_406 = vector.shape_cast %swap3A_405 : vector<1x16xf32> to vector<16xf32>
      %swap3A_407 = vector.shape_cast %mul3A_398 : vector<16xf32> to vector<1x16xf32>
      tpu.vector_store %arg7[%swap3A_403, %swap3A_404], %swap3A_407 {strides = array<i32>} : memref<128x128xf32, #tpu.memory_space<vmem>>, vector<1x16xf32>,
      %get3A_408 = arith.constant 40 : i32
      %get3A_409 = arith.index_cast %get3A_408 : i32 to index
      %get3A_410 = arith.constant 16 : index
      %get3A_411 = tpu.vector_load %arg6[%get3A_409, %get3A_410] {strides = array<i32>} : memref<80x128xf32, #tpu.memory_space<vmem>>, vector<1x16xf32>,
      %get3A_412 = vector.shape_cast %get3A_411 : vector<1x16xf32> to vector<16xf32>
      %scan3A_413 = arith.constant 1 : i32
      %scan3A_414 = arith.constant 19 : i32
      %scan3A_415 = arith.addi %scan3A_413, %scan3A_414 : i32
      %scan3A_416 = arith.constant 1 : i32
      %scan3A_417 = scf.for %scan3A_753 = %scan3A_413 to %scan3A_415 step %scan3A_416 iter_args(%scan3A_754 = %get3A_412) -> (vector<16xf32>)  : i32 {
        %add3A_755 = arith.constant 40 : i32
        %add3A_756 = arith.addi %add3A_755, %scan3A_753 : i32
        %get3A_757 = arith.index_cast %add3A_756 : i32 to index
        %get3A_758 = arith.constant 16 : index
        %get3A_759 = tpu.vector_load %arg6[%get3A_757, %get3A_758] {strides = array<i32>} : memref<80x128xf32, #tpu.memory_space<vmem>>, vector<1x16xf32>,
        %get3A_760 = vector.shape_cast %get3A_759 : vector<1x16xf32> to vector<16xf32>
        %add3A_761 = arith.addf %scan3A_754, %get3A_760 : vector<16xf32>
        scf.yield %add3A_761 : vector<16xf32>
      }
      %scan3A_418 = arith.constant 19 : i32
      %mul3A_419 = arith.constant 5.000000e-02 : f32
      %mul3A_420 = vector.broadcast %mul3A_419 : f32 to vector<16xf32>
      %mul3A_421 = arith.mulf %scan3A_417, %mul3A_420 : vector<16xf32>
      %mul3A_422 = arith.constant 4 : i32
      %mul3A_423 = arith.muli %scan3A_8, %mul3A_422 : i32
      %add3A_424 = arith.constant 2 : i32
      %add3A_425 = arith.addi %mul3A_423, %add3A_424 : i32
      %swap3A_426 = arith.index_cast %add3A_425 : i32 to index
      %swap3A_427 = arith.constant 16 : index
      %swap3A_428 = tpu.vector_load %arg7[%swap3A_426, %swap3A_427] {strides = array<i32>} : memref<128x128xf32, #tpu.memory_space<vmem>>, vector<1x16xf32>,
      %swap3A_429 = vector.shape_cast %swap3A_428 : vector<1x16xf32> to vector<16xf32>
      %swap3A_430 = vector.shape_cast %mul3A_421 : vector<16xf32> to vector<1x16xf32>
      tpu.vector_store %arg7[%swap3A_426, %swap3A_427], %swap3A_430 {strides = array<i32>} : memref<128x128xf32, #tpu.memory_space<vmem>>, vector<1x16xf32>,
      %get3A_431 = arith.constant 40 : i32
      %get3A_432 = arith.index_cast %get3A_431 : i32 to index
      %get3A_433 = arith.constant 32 : index
      %get3A_434 = tpu.vector_load %arg6[%get3A_432, %get3A_433] {strides = array<i32>} : memref<80x128xf32, #tpu.memory_space<vmem>>, vector<1x16xf32>,
      %get3A_435 = vector.shape_cast %get3A_434 : vector<1x16xf32> to vector<16xf32>
      %scan3A_436 = arith.constant 1 : i32
      %scan3A_437 = arith.constant 19 : i32
      %scan3A_438 = arith.addi %scan3A_436, %scan3A_437 : i32
      %scan3A_439 = arith.constant 1 : i32
      %scan3A_440 = scf.for %scan3A_753 = %scan3A_436 to %scan3A_438 step %scan3A_439 iter_args(%scan3A_754 = %get3A_435) -> (vector<16xf32>)  : i32 {
        %add3A_755 = arith.constant 40 : i32
        %add3A_756 = arith.addi %add3A_755, %scan3A_753 : i32
        %get3A_757 = arith.index_cast %add3A_756 : i32 to index
        %get3A_758 = arith.constant 32 : index
        %get3A_759 = tpu.vector_load %arg6[%get3A_757, %get3A_758] {strides = array<i32>} : memref<80x128xf32, #tpu.memory_space<vmem>>, vector<1x16xf32>,
        %get3A_760 = vector.shape_cast %get3A_759 : vector<1x16xf32> to vector<16xf32>
        %add3A_761 = arith.addf %scan3A_754, %get3A_760 : vector<16xf32>
        scf.yield %add3A_761 : vector<16xf32>
      }
      %scan3A_441 = arith.constant 19 : i32
      %mul3A_442 = arith.constant 5.000000e-02 : f32
      %mul3A_443 = vector.broadcast %mul3A_442 : f32 to vector<16xf32>
      %mul3A_444 = arith.mulf %scan3A_440, %mul3A_443 : vector<16xf32>
      %mul3A_445 = arith.constant 4 : i32
      %mul3A_446 = arith.muli %scan3A_8, %mul3A_445 : i32
      %add3A_447 = arith.constant 2 : i32
      %add3A_448 = arith.addi %mul3A_446, %add3A_447 : i32
      %swap3A_449 = arith.index_cast %add3A_448 : i32 to index
      %swap3A_450 = arith.constant 32 : index
      %swap3A_451 = tpu.vector_load %arg7[%swap3A_449, %swap3A_450] {strides = array<i32>} : memref<128x128xf32, #tpu.memory_space<vmem>>, vector<1x16xf32>,
      %swap3A_452 = vector.shape_cast %swap3A_451 : vector<1x16xf32> to vector<16xf32>
      %swap3A_453 = vector.shape_cast %mul3A_444 : vector<16xf32> to vector<1x16xf32>
      tpu.vector_store %arg7[%swap3A_449, %swap3A_450], %swap3A_453 {strides = array<i32>} : memref<128x128xf32, #tpu.memory_space<vmem>>, vector<1x16xf32>,
      %get3A_454 = arith.constant 40 : i32
      %get3A_455 = arith.index_cast %get3A_454 : i32 to index
      %get3A_456 = arith.constant 48 : index
      %get3A_457 = tpu.vector_load %arg6[%get3A_455, %get3A_456] {strides = array<i32>} : memref<80x128xf32, #tpu.memory_space<vmem>>, vector<1x16xf32>,
      %get3A_458 = vector.shape_cast %get3A_457 : vector<1x16xf32> to vector<16xf32>
      %scan3A_459 = arith.constant 1 : i32
      %scan3A_460 = arith.constant 19 : i32
      %scan3A_461 = arith.addi %scan3A_459, %scan3A_460 : i32
      %scan3A_462 = arith.constant 1 : i32
      %scan3A_463 = scf.for %scan3A_753 = %scan3A_459 to %scan3A_461 step %scan3A_462 iter_args(%scan3A_754 = %get3A_458) -> (vector<16xf32>)  : i32 {
        %add3A_755 = arith.constant 40 : i32
        %add3A_756 = arith.addi %add3A_755, %scan3A_753 : i32
        %get3A_757 = arith.index_cast %add3A_756 : i32 to index
        %get3A_758 = arith.constant 48 : index
        %get3A_759 = tpu.vector_load %arg6[%get3A_757, %get3A_758] {strides = array<i32>} : memref<80x128xf32, #tpu.memory_space<vmem>>, vector<1x16xf32>,
        %get3A_760 = vector.shape_cast %get3A_759 : vector<1x16xf32> to vector<16xf32>
        %add3A_761 = arith.addf %scan3A_754, %get3A_760 : vector<16xf32>
        scf.yield %add3A_761 : vector<16xf32>
      }
      %scan3A_464 = arith.constant 19 : i32
      %mul3A_465 = arith.constant 5.000000e-02 : f32
      %mul3A_466 = vector.broadcast %mul3A_465 : f32 to vector<16xf32>
      %mul3A_467 = arith.mulf %scan3A_463, %mul3A_466 : vector<16xf32>
      %mul3A_468 = arith.constant 4 : i32
      %mul3A_469 = arith.muli %scan3A_8, %mul3A_468 : i32
      %add3A_470 = arith.constant 2 : i32
      %add3A_471 = arith.addi %mul3A_469, %add3A_470 : i32
      %swap3A_472 = arith.index_cast %add3A_471 : i32 to index
      %swap3A_473 = arith.constant 48 : index
      %swap3A_474 = tpu.vector_load %arg7[%swap3A_472, %swap3A_473] {strides = array<i32>} : memref<128x128xf32, #tpu.memory_space<vmem>>, vector<1x16xf32>,
      %swap3A_475 = vector.shape_cast %swap3A_474 : vector<1x16xf32> to vector<16xf32>
      %swap3A_476 = vector.shape_cast %mul3A_467 : vector<16xf32> to vector<1x16xf32>
      tpu.vector_store %arg7[%swap3A_472, %swap3A_473], %swap3A_476 {strides = array<i32>} : memref<128x128xf32, #tpu.memory_space<vmem>>, vector<1x16xf32>,
      %get3A_477 = arith.constant 40 : i32
      %get3A_478 = arith.index_cast %get3A_477 : i32 to index
      %get3A_479 = arith.constant 64 : index
      %get3A_480 = tpu.vector_load %arg6[%get3A_478, %get3A_479] {strides = array<i32>} : memref<80x128xf32, #tpu.memory_space<vmem>>, vector<1x16xf32>,
      %get3A_481 = vector.shape_cast %get3A_480 : vector<1x16xf32> to vector<16xf32>
      %scan3A_482 = arith.constant 1 : i32
      %scan3A_483 = arith.constant 19 : i32
      %scan3A_484 = arith.addi %scan3A_482, %scan3A_483 : i32
      %scan3A_485 = arith.constant 1 : i32
      %scan3A_486 = scf.for %scan3A_753 = %scan3A_482 to %scan3A_484 step %scan3A_485 iter_args(%scan3A_754 = %get3A_481) -> (vector<16xf32>)  : i32 {
        %add3A_755 = arith.constant 40 : i32
        %add3A_756 = arith.addi %add3A_755, %scan3A_753 : i32
        %get3A_757 = arith.index_cast %add3A_756 : i32 to index
        %get3A_758 = arith.constant 64 : index
        %get3A_759 = tpu.vector_load %arg6[%get3A_757, %get3A_758] {strides = array<i32>} : memref<80x128xf32, #tpu.memory_space<vmem>>, vector<1x16xf32>,
        %get3A_760 = vector.shape_cast %get3A_759 : vector<1x16xf32> to vector<16xf32>
        %add3A_761 = arith.addf %scan3A_754, %get3A_760 : vector<16xf32>
        scf.yield %add3A_761 : vector<16xf32>
      }
      %scan3A_487 = arith.constant 19 : i32
      %mul3A_488 = arith.constant 5.000000e-02 : f32
      %mul3A_489 = vector.broadcast %mul3A_488 : f32 to vector<16xf32>
      %mul3A_490 = arith.mulf %scan3A_486, %mul3A_489 : vector<16xf32>
      %mul3A_491 = arith.constant 4 : i32
      %mul3A_492 = arith.muli %scan3A_8, %mul3A_491 : i32
      %add3A_493 = arith.constant 2 : i32
      %add3A_494 = arith.addi %mul3A_492, %add3A_493 : i32
      %swap3A_495 = arith.index_cast %add3A_494 : i32 to index
      %swap3A_496 = arith.constant 64 : index
      %swap3A_497 = tpu.vector_load %arg7[%swap3A_495, %swap3A_496] {strides = array<i32>} : memref<128x128xf32, #tpu.memory_space<vmem>>, vector<1x16xf32>,
      %swap3A_498 = vector.shape_cast %swap3A_497 : vector<1x16xf32> to vector<16xf32>
      %swap3A_499 = vector.shape_cast %mul3A_490 : vector<16xf32> to vector<1x16xf32>
      tpu.vector_store %arg7[%swap3A_495, %swap3A_496], %swap3A_499 {strides = array<i32>} : memref<128x128xf32, #tpu.memory_space<vmem>>, vector<1x16xf32>,
      %get3A_500 = arith.constant 40 : i32
      %get3A_501 = arith.index_cast %get3A_500 : i32 to index
      %get3A_502 = arith.constant 80 : index
      %get3A_503 = tpu.vector_load %arg6[%get3A_501, %get3A_502] {strides = array<i32>} : memref<80x128xf32, #tpu.memory_space<vmem>>, vector<1x16xf32>,
      %get3A_504 = vector.shape_cast %get3A_503 : vector<1x16xf32> to vector<16xf32>
      %scan3A_505 = arith.constant 1 : i32
      %scan3A_506 = arith.constant 19 : i32
      %scan3A_507 = arith.addi %scan3A_505, %scan3A_506 : i32
      %scan3A_508 = arith.constant 1 : i32
      %scan3A_509 = scf.for %scan3A_753 = %scan3A_505 to %scan3A_507 step %scan3A_508 iter_args(%scan3A_754 = %get3A_504) -> (vector<16xf32>)  : i32 {
        %add3A_755 = arith.constant 40 : i32
        %add3A_756 = arith.addi %add3A_755, %scan3A_753 : i32
        %get3A_757 = arith.index_cast %add3A_756 : i32 to index
        %get3A_758 = arith.constant 80 : index
        %get3A_759 = tpu.vector_load %arg6[%get3A_757, %get3A_758] {strides = array<i32>} : memref<80x128xf32, #tpu.memory_space<vmem>>, vector<1x16xf32>,
        %get3A_760 = vector.shape_cast %get3A_759 : vector<1x16xf32> to vector<16xf32>
        %add3A_761 = arith.addf %scan3A_754, %get3A_760 : vector<16xf32>
        scf.yield %add3A_761 : vector<16xf32>
      }
      %scan3A_510 = arith.constant 19 : i32
      %mul3A_511 = arith.constant 5.000000e-02 : f32
      %mul3A_512 = vector.broadcast %mul3A_511 : f32 to vector<16xf32>
      %mul3A_513 = arith.mulf %scan3A_509, %mul3A_512 : vector<16xf32>
      %mul3A_514 = arith.constant 4 : i32
      %mul3A_515 = arith.muli %scan3A_8, %mul3A_514 : i32
      %add3A_516 = arith.constant 2 : i32
      %add3A_517 = arith.addi %mul3A_515, %add3A_516 : i32
      %swap3A_518 = arith.index_cast %add3A_517 : i32 to index
      %swap3A_519 = arith.constant 80 : index
      %swap3A_520 = tpu.vector_load %arg7[%swap3A_518, %swap3A_519] {strides = array<i32>} : memref<128x128xf32, #tpu.memory_space<vmem>>, vector<1x16xf32>,
      %swap3A_521 = vector.shape_cast %swap3A_520 : vector<1x16xf32> to vector<16xf32>
      %swap3A_522 = vector.shape_cast %mul3A_513 : vector<16xf32> to vector<1x16xf32>
      tpu.vector_store %arg7[%swap3A_518, %swap3A_519], %swap3A_522 {strides = array<i32>} : memref<128x128xf32, #tpu.memory_space<vmem>>, vector<1x16xf32>,
      %get3A_523 = arith.constant 40 : i32
      %get3A_524 = arith.index_cast %get3A_523 : i32 to index
      %get3A_525 = arith.constant 96 : index
      %get3A_526 = tpu.vector_load %arg6[%get3A_524, %get3A_525] {strides = array<i32>} : memref<80x128xf32, #tpu.memory_space<vmem>>, vector<1x16xf32>,
      %get3A_527 = vector.shape_cast %get3A_526 : vector<1x16xf32> to vector<16xf32>
      %scan3A_528 = arith.constant 1 : i32
      %scan3A_529 = arith.constant 19 : i32
      %scan3A_530 = arith.addi %scan3A_528, %scan3A_529 : i32
      %scan3A_531 = arith.constant 1 : i32
      %scan3A_532 = scf.for %scan3A_753 = %scan3A_528 to %scan3A_530 step %scan3A_531 iter_args(%scan3A_754 = %get3A_527) -> (vector<16xf32>)  : i32 {
        %add3A_755 = arith.constant 40 : i32
        %add3A_756 = arith.addi %add3A_755, %scan3A_753 : i32
        %get3A_757 = arith.index_cast %add3A_756 : i32 to index
        %get3A_758 = arith.constant 96 : index
        %get3A_759 = tpu.vector_load %arg6[%get3A_757, %get3A_758] {strides = array<i32>} : memref<80x128xf32, #tpu.memory_space<vmem>>, vector<1x16xf32>,
        %get3A_760 = vector.shape_cast %get3A_759 : vector<1x16xf32> to vector<16xf32>
        %add3A_761 = arith.addf %scan3A_754, %get3A_760 : vector<16xf32>
        scf.yield %add3A_761 : vector<16xf32>
      }
      %scan3A_533 = arith.constant 19 : i32
      %mul3A_534 = arith.constant 5.000000e-02 : f32
      %mul3A_535 = vector.broadcast %mul3A_534 : f32 to vector<16xf32>
      %mul3A_536 = arith.mulf %scan3A_532, %mul3A_535 : vector<16xf32>
      %mul3A_537 = arith.constant 4 : i32
      %mul3A_538 = arith.muli %scan3A_8, %mul3A_537 : i32
      %add3A_539 = arith.constant 2 : i32
      %add3A_540 = arith.addi %mul3A_538, %add3A_539 : i32
      %swap3A_541 = arith.index_cast %add3A_540 : i32 to index
      %swap3A_542 = arith.constant 96 : index
      %swap3A_543 = tpu.vector_load %arg7[%swap3A_541, %swap3A_542] {strides = array<i32>} : memref<128x128xf32, #tpu.memory_space<vmem>>, vector<1x16xf32>,
      %swap3A_544 = vector.shape_cast %swap3A_543 : vector<1x16xf32> to vector<16xf32>
      %swap3A_545 = vector.shape_cast %mul3A_536 : vector<16xf32> to vector<1x16xf32>
      tpu.vector_store %arg7[%swap3A_541, %swap3A_542], %swap3A_545 {strides = array<i32>} : memref<128x128xf32, #tpu.memory_space<vmem>>, vector<1x16xf32>,
      %get3A_546 = arith.constant 40 : i32
      %get3A_547 = arith.index_cast %get3A_546 : i32 to index
      %get3A_548 = arith.constant 112 : index
      %get3A_549 = tpu.vector_load %arg6[%get3A_547, %get3A_548] {strides = array<i32>} : memref<80x128xf32, #tpu.memory_space<vmem>>, vector<1x16xf32>,
      %get3A_550 = vector.shape_cast %get3A_549 : vector<1x16xf32> to vector<16xf32>
      %scan3A_551 = arith.constant 1 : i32
      %scan3A_552 = arith.constant 19 : i32
      %scan3A_553 = arith.addi %scan3A_551, %scan3A_552 : i32
      %scan3A_554 = arith.constant 1 : i32
      %scan3A_555 = scf.for %scan3A_753 = %scan3A_551 to %scan3A_553 step %scan3A_554 iter_args(%scan3A_754 = %get3A_550) -> (vector<16xf32>)  : i32 {
        %add3A_755 = arith.constant 40 : i32
        %add3A_756 = arith.addi %add3A_755, %scan3A_753 : i32
        %get3A_757 = arith.index_cast %add3A_756 : i32 to index
        %get3A_758 = arith.constant 112 : index
        %get3A_759 = tpu.vector_load %arg6[%get3A_757, %get3A_758] {strides = array<i32>} : memref<80x128xf32, #tpu.memory_space<vmem>>, vector<1x16xf32>,
        %get3A_760 = vector.shape_cast %get3A_759 : vector<1x16xf32> to vector<16xf32>
        %add3A_761 = arith.addf %scan3A_754, %get3A_760 : vector<16xf32>
        scf.yield %add3A_761 : vector<16xf32>
      }
      %scan3A_556 = arith.constant 19 : i32
      %mul3A_557 = arith.constant 5.000000e-02 : f32
      %mul3A_558 = vector.broadcast %mul3A_557 : f32 to vector<16xf32>
      %mul3A_559 = arith.mulf %scan3A_555, %mul3A_558 : vector<16xf32>
      %mul3A_560 = arith.constant 4 : i32
      %mul3A_561 = arith.muli %scan3A_8, %mul3A_560 : i32
      %add3A_562 = arith.constant 2 : i32
      %add3A_563 = arith.addi %mul3A_561, %add3A_562 : i32
      %swap3A_564 = arith.index_cast %add3A_563 : i32 to index
      %swap3A_565 = arith.constant 112 : index
      %swap3A_566 = tpu.vector_load %arg7[%swap3A_564, %swap3A_565] {strides = array<i32>} : memref<128x128xf32, #tpu.memory_space<vmem>>, vector<1x16xf32>,
      %swap3A_567 = vector.shape_cast %swap3A_566 : vector<1x16xf32> to vector<16xf32>
      %swap3A_568 = vector.shape_cast %mul3A_559 : vector<16xf32> to vector<1x16xf32>
      tpu.vector_store %arg7[%swap3A_564, %swap3A_565], %swap3A_568 {strides = array<i32>} : memref<128x128xf32, #tpu.memory_space<vmem>>, vector<1x16xf32>,
      %get3A_569 = arith.constant 60 : i32
      %get3A_570 = arith.index_cast %get3A_569 : i32 to index
      %get3A_571 = arith.constant 0 : index
      %get3A_572 = tpu.vector_load %arg6[%get3A_570, %get3A_571] {strides = array<i32>} : memref<80x128xf32, #tpu.memory_space<vmem>>, vector<1x16xf32>,
      %get3A_573 = vector.shape_cast %get3A_572 : vector<1x16xf32> to vector<16xf32>
      %scan3A_574 = arith.constant 1 : i32
      %scan3A_575 = arith.constant 19 : i32
      %scan3A_576 = arith.addi %scan3A_574, %scan3A_575 : i32
      %scan3A_577 = arith.constant 1 : i32
      %scan3A_578 = scf.for %scan3A_753 = %scan3A_574 to %scan3A_576 step %scan3A_577 iter_args(%scan3A_754 = %get3A_573) -> (vector<16xf32>)  : i32 {
        %add3A_755 = arith.constant 60 : i32
        %add3A_756 = arith.addi %add3A_755, %scan3A_753 : i32
        %get3A_757 = arith.index_cast %add3A_756 : i32 to index
        %get3A_758 = arith.constant 0 : index
        %get3A_759 = tpu.vector_load %arg6[%get3A_757, %get3A_758] {strides = array<i32>} : memref<80x128xf32, #tpu.memory_space<vmem>>, vector<1x16xf32>,
        %get3A_760 = vector.shape_cast %get3A_759 : vector<1x16xf32> to vector<16xf32>
        %add3A_761 = arith.addf %scan3A_754, %get3A_760 : vector<16xf32>
        scf.yield %add3A_761 : vector<16xf32>
      }
      %scan3A_579 = arith.constant 19 : i32
      %mul3A_580 = arith.constant 5.000000e-02 : f32
      %mul3A_581 = vector.broadcast %mul3A_580 : f32 to vector<16xf32>
      %mul3A_582 = arith.mulf %scan3A_578, %mul3A_581 : vector<16xf32>
      %mul3A_583 = arith.constant 4 : i32
      %mul3A_584 = arith.muli %scan3A_8, %mul3A_583 : i32
      %add3A_585 = arith.constant 3 : i32
      %add3A_586 = arith.addi %mul3A_584, %add3A_585 : i32
      %swap3A_587 = arith.index_cast %add3A_586 : i32 to index
      %swap3A_588 = arith.constant 0 : index
      %swap3A_589 = tpu.vector_load %arg7[%swap3A_587, %swap3A_588] {strides = array<i32>} : memref<128x128xf32, #tpu.memory_space<vmem>>, vector<1x16xf32>,
      %swap3A_590 = vector.shape_cast %swap3A_589 : vector<1x16xf32> to vector<16xf32>
      %swap3A_591 = vector.shape_cast %mul3A_582 : vector<16xf32> to vector<1x16xf32>
      tpu.vector_store %arg7[%swap3A_587, %swap3A_588], %swap3A_591 {strides = array<i32>} : memref<128x128xf32, #tpu.memory_space<vmem>>, vector<1x16xf32>,
      %get3A_592 = arith.constant 60 : i32
      %get3A_593 = arith.index_cast %get3A_592 : i32 to index
      %get3A_594 = arith.constant 16 : index
      %get3A_595 = tpu.vector_load %arg6[%get3A_593, %get3A_594] {strides = array<i32>} : memref<80x128xf32, #tpu.memory_space<vmem>>, vector<1x16xf32>,
      %get3A_596 = vector.shape_cast %get3A_595 : vector<1x16xf32> to vector<16xf32>
      %scan3A_597 = arith.constant 1 : i32
      %scan3A_598 = arith.constant 19 : i32
      %scan3A_599 = arith.addi %scan3A_597, %scan3A_598 : i32
      %scan3A_600 = arith.constant 1 : i32
      %scan3A_601 = scf.for %scan3A_753 = %scan3A_597 to %scan3A_599 step %scan3A_600 iter_args(%scan3A_754 = %get3A_596) -> (vector<16xf32>)  : i32 {
        %add3A_755 = arith.constant 60 : i32
        %add3A_756 = arith.addi %add3A_755, %scan3A_753 : i32
        %get3A_757 = arith.index_cast %add3A_756 : i32 to index
        %get3A_758 = arith.constant 16 : index
        %get3A_759 = tpu.vector_load %arg6[%get3A_757, %get3A_758] {strides = array<i32>} : memref<80x128xf32, #tpu.memory_space<vmem>>, vector<1x16xf32>,
        %get3A_760 = vector.shape_cast %get3A_759 : vector<1x16xf32> to vector<16xf32>
        %add3A_761 = arith.addf %scan3A_754, %get3A_760 : vector<16xf32>
        scf.yield %add3A_761 : vector<16xf32>
      }
      %scan3A_602 = arith.constant 19 : i32
      %mul3A_603 = arith.constant 5.000000e-02 : f32
      %mul3A_604 = vector.broadcast %mul3A_603 : f32 to vector<16xf32>
      %mul3A_605 = arith.mulf %scan3A_601, %mul3A_604 : vector<16xf32>
      %mul3A_606 = arith.constant 4 : i32
      %mul3A_607 = arith.muli %scan3A_8, %mul3A_606 : i32
      %add3A_608 = arith.constant 3 : i32
      %add3A_609 = arith.addi %mul3A_607, %add3A_608 : i32
      %swap3A_610 = arith.index_cast %add3A_609 : i32 to index
      %swap3A_611 = arith.constant 16 : index
      %swap3A_612 = tpu.vector_load %arg7[%swap3A_610, %swap3A_611] {strides = array<i32>} : memref<128x128xf32, #tpu.memory_space<vmem>>, vector<1x16xf32>,
      %swap3A_613 = vector.shape_cast %swap3A_612 : vector<1x16xf32> to vector<16xf32>
      %swap3A_614 = vector.shape_cast %mul3A_605 : vector<16xf32> to vector<1x16xf32>
      tpu.vector_store %arg7[%swap3A_610, %swap3A_611], %swap3A_614 {strides = array<i32>} : memref<128x128xf32, #tpu.memory_space<vmem>>, vector<1x16xf32>,
      %get3A_615 = arith.constant 60 : i32
      %get3A_616 = arith.index_cast %get3A_615 : i32 to index
      %get3A_617 = arith.constant 32 : index
      %get3A_618 = tpu.vector_load %arg6[%get3A_616, %get3A_617] {strides = array<i32>} : memref<80x128xf32, #tpu.memory_space<vmem>>, vector<1x16xf32>,
      %get3A_619 = vector.shape_cast %get3A_618 : vector<1x16xf32> to vector<16xf32>
      %scan3A_620 = arith.constant 1 : i32
      %scan3A_621 = arith.constant 19 : i32
      %scan3A_622 = arith.addi %scan3A_620, %scan3A_621 : i32
      %scan3A_623 = arith.constant 1 : i32
      %scan3A_624 = scf.for %scan3A_753 = %scan3A_620 to %scan3A_622 step %scan3A_623 iter_args(%scan3A_754 = %get3A_619) -> (vector<16xf32>)  : i32 {
        %add3A_755 = arith.constant 60 : i32
        %add3A_756 = arith.addi %add3A_755, %scan3A_753 : i32
        %get3A_757 = arith.index_cast %add3A_756 : i32 to index
        %get3A_758 = arith.constant 32 : index
        %get3A_759 = tpu.vector_load %arg6[%get3A_757, %get3A_758] {strides = array<i32>} : memref<80x128xf32, #tpu.memory_space<vmem>>, vector<1x16xf32>,
        %get3A_760 = vector.shape_cast %get3A_759 : vector<1x16xf32> to vector<16xf32>
        %add3A_761 = arith.addf %scan3A_754, %get3A_760 : vector<16xf32>
        scf.yield %add3A_761 : vector<16xf32>
      }
      %scan3A_625 = arith.constant 19 : i32
      %mul3A_626 = arith.constant 5.000000e-02 : f32
      %mul3A_627 = vector.broadcast %mul3A_626 : f32 to vector<16xf32>
      %mul3A_628 = arith.mulf %scan3A_624, %mul3A_627 : vector<16xf32>
      %mul3A_629 = arith.constant 4 : i32
      %mul3A_630 = arith.muli %scan3A_8, %mul3A_629 : i32
      %add3A_631 = arith.constant 3 : i32
      %add3A_632 = arith.addi %mul3A_630, %add3A_631 : i32
      %swap3A_633 = arith.index_cast %add3A_632 : i32 to index
      %swap3A_634 = arith.constant 32 : index
      %swap3A_635 = tpu.vector_load %arg7[%swap3A_633, %swap3A_634] {strides = array<i32>} : memref<128x128xf32, #tpu.memory_space<vmem>>, vector<1x16xf32>,
      %swap3A_636 = vector.shape_cast %swap3A_635 : vector<1x16xf32> to vector<16xf32>
      %swap3A_637 = vector.shape_cast %mul3A_628 : vector<16xf32> to vector<1x16xf32>
      tpu.vector_store %arg7[%swap3A_633, %swap3A_634], %swap3A_637 {strides = array<i32>} : memref<128x128xf32, #tpu.memory_space<vmem>>, vector<1x16xf32>,
      %get3A_638 = arith.constant 60 : i32
      %get3A_639 = arith.index_cast %get3A_638 : i32 to index
      %get3A_640 = arith.constant 48 : index
      %get3A_641 = tpu.vector_load %arg6[%get3A_639, %get3A_640] {strides = array<i32>} : memref<80x128xf32, #tpu.memory_space<vmem>>, vector<1x16xf32>,
      %get3A_642 = vector.shape_cast %get3A_641 : vector<1x16xf32> to vector<16xf32>
      %scan3A_643 = arith.constant 1 : i32
      %scan3A_644 = arith.constant 19 : i32
      %scan3A_645 = arith.addi %scan3A_643, %scan3A_644 : i32
      %scan3A_646 = arith.constant 1 : i32
      %scan3A_647 = scf.for %scan3A_753 = %scan3A_643 to %scan3A_645 step %scan3A_646 iter_args(%scan3A_754 = %get3A_642) -> (vector<16xf32>)  : i32 {
        %add3A_755 = arith.constant 60 : i32
        %add3A_756 = arith.addi %add3A_755, %scan3A_753 : i32
        %get3A_757 = arith.index_cast %add3A_756 : i32 to index
        %get3A_758 = arith.constant 48 : index
        %get3A_759 = tpu.vector_load %arg6[%get3A_757, %get3A_758] {strides = array<i32>} : memref<80x128xf32, #tpu.memory_space<vmem>>, vector<1x16xf32>,
        %get3A_760 = vector.shape_cast %get3A_759 : vector<1x16xf32> to vector<16xf32>
        %add3A_761 = arith.addf %scan3A_754, %get3A_760 : vector<16xf32>
        scf.yield %add3A_761 : vector<16xf32>
      }
      %scan3A_648 = arith.constant 19 : i32
      %mul3A_649 = arith.constant 5.000000e-02 : f32
      %mul3A_650 = vector.broadcast %mul3A_649 : f32 to vector<16xf32>
      %mul3A_651 = arith.mulf %scan3A_647, %mul3A_650 : vector<16xf32>
      %mul3A_652 = arith.constant 4 : i32
      %mul3A_653 = arith.muli %scan3A_8, %mul3A_652 : i32
      %add3A_654 = arith.constant 3 : i32
      %add3A_655 = arith.addi %mul3A_653, %add3A_654 : i32
      %swap3A_656 = arith.index_cast %add3A_655 : i32 to index
      %swap3A_657 = arith.constant 48 : index
      %swap3A_658 = tpu.vector_load %arg7[%swap3A_656, %swap3A_657] {strides = array<i32>} : memref<128x128xf32, #tpu.memory_space<vmem>>, vector<1x16xf32>,
      %swap3A_659 = vector.shape_cast %swap3A_658 : vector<1x16xf32> to vector<16xf32>
      %swap3A_660 = vector.shape_cast %mul3A_651 : vector<16xf32> to vector<1x16xf32>
      tpu.vector_store %arg7[%swap3A_656, %swap3A_657], %swap3A_660 {strides = array<i32>} : memref<128x128xf32, #tpu.memory_space<vmem>>, vector<1x16xf32>,
      %get3A_661 = arith.constant 60 : i32
      %get3A_662 = arith.index_cast %get3A_661 : i32 to index
      %get3A_663 = arith.constant 64 : index
      %get3A_664 = tpu.vector_load %arg6[%get3A_662, %get3A_663] {strides = array<i32>} : memref<80x128xf32, #tpu.memory_space<vmem>>, vector<1x16xf32>,
      %get3A_665 = vector.shape_cast %get3A_664 : vector<1x16xf32> to vector<16xf32>
      %scan3A_666 = arith.constant 1 : i32
      %scan3A_667 = arith.constant 19 : i32
      %scan3A_668 = arith.addi %scan3A_666, %scan3A_667 : i32
      %scan3A_669 = arith.constant 1 : i32
      %scan3A_670 = scf.for %scan3A_753 = %scan3A_666 to %scan3A_668 step %scan3A_669 iter_args(%scan3A_754 = %get3A_665) -> (vector<16xf32>)  : i32 {
        %add3A_755 = arith.constant 60 : i32
        %add3A_756 = arith.addi %add3A_755, %scan3A_753 : i32
        %get3A_757 = arith.index_cast %add3A_756 : i32 to index
        %get3A_758 = arith.constant 64 : index
        %get3A_759 = tpu.vector_load %arg6[%get3A_757, %get3A_758] {strides = array<i32>} : memref<80x128xf32, #tpu.memory_space<vmem>>, vector<1x16xf32>,
        %get3A_760 = vector.shape_cast %get3A_759 : vector<1x16xf32> to vector<16xf32>
        %add3A_761 = arith.addf %scan3A_754, %get3A_760 : vector<16xf32>
        scf.yield %add3A_761 : vector<16xf32>
      }
      %scan3A_671 = arith.constant 19 : i32
      %mul3A_672 = arith.constant 5.000000e-02 : f32
      %mul3A_673 = vector.broadcast %mul3A_672 : f32 to vector<16xf32>
      %mul3A_674 = arith.mulf %scan3A_670, %mul3A_673 : vector<16xf32>
      %mul3A_675 = arith.constant 4 : i32
      %mul3A_676 = arith.muli %scan3A_8, %mul3A_675 : i32
      %add3A_677 = arith.constant 3 : i32
      %add3A_678 = arith.addi %mul3A_676, %add3A_677 : i32
      %swap3A_679 = arith.index_cast %add3A_678 : i32 to index
      %swap3A_680 = arith.constant 64 : index
      %swap3A_681 = tpu.vector_load %arg7[%swap3A_679, %swap3A_680] {strides = array<i32>} : memref<128x128xf32, #tpu.memory_space<vmem>>, vector<1x16xf32>,
      %swap3A_682 = vector.shape_cast %swap3A_681 : vector<1x16xf32> to vector<16xf32>
      %swap3A_683 = vector.shape_cast %mul3A_674 : vector<16xf32> to vector<1x16xf32>
      tpu.vector_store %arg7[%swap3A_679, %swap3A_680], %swap3A_683 {strides = array<i32>} : memref<128x128xf32, #tpu.memory_space<vmem>>, vector<1x16xf32>,
      %get3A_684 = arith.constant 60 : i32
      %get3A_685 = arith.index_cast %get3A_684 : i32 to index
      %get3A_686 = arith.constant 80 : index
      %get3A_687 = tpu.vector_load %arg6[%get3A_685, %get3A_686] {strides = array<i32>} : memref<80x128xf32, #tpu.memory_space<vmem>>, vector<1x16xf32>,
      %get3A_688 = vector.shape_cast %get3A_687 : vector<1x16xf32> to vector<16xf32>
      %scan3A_689 = arith.constant 1 : i32
      %scan3A_690 = arith.constant 19 : i32
      %scan3A_691 = arith.addi %scan3A_689, %scan3A_690 : i32
      %scan3A_692 = arith.constant 1 : i32
      %scan3A_693 = scf.for %scan3A_753 = %scan3A_689 to %scan3A_691 step %scan3A_692 iter_args(%scan3A_754 = %get3A_688) -> (vector<16xf32>)  : i32 {
        %add3A_755 = arith.constant 60 : i32
        %add3A_756 = arith.addi %add3A_755, %scan3A_753 : i32
        %get3A_757 = arith.index_cast %add3A_756 : i32 to index
        %get3A_758 = arith.constant 80 : index
        %get3A_759 = tpu.vector_load %arg6[%get3A_757, %get3A_758] {strides = array<i32>} : memref<80x128xf32, #tpu.memory_space<vmem>>, vector<1x16xf32>,
        %get3A_760 = vector.shape_cast %get3A_759 : vector<1x16xf32> to vector<16xf32>
        %add3A_761 = arith.addf %scan3A_754, %get3A_760 : vector<16xf32>
        scf.yield %add3A_761 : vector<16xf32>
      }
      %scan3A_694 = arith.constant 19 : i32
      %mul3A_695 = arith.constant 5.000000e-02 : f32
      %mul3A_696 = vector.broadcast %mul3A_695 : f32 to vector<16xf32>
      %mul3A_697 = arith.mulf %scan3A_693, %mul3A_696 : vector<16xf32>
      %mul3A_698 = arith.constant 4 : i32
      %mul3A_699 = arith.muli %scan3A_8, %mul3A_698 : i32
      %add3A_700 = arith.constant 3 : i32
      %add3A_701 = arith.addi %mul3A_699, %add3A_700 : i32
      %swap3A_702 = arith.index_cast %add3A_701 : i32 to index
      %swap3A_703 = arith.constant 80 : index
      %swap3A_704 = tpu.vector_load %arg7[%swap3A_702, %swap3A_703] {strides = array<i32>} : memref<128x128xf32, #tpu.memory_space<vmem>>, vector<1x16xf32>,
      %swap3A_705 = vector.shape_cast %swap3A_704 : vector<1x16xf32> to vector<16xf32>
      %swap3A_706 = vector.shape_cast %mul3A_697 : vector<16xf32> to vector<1x16xf32>
      tpu.vector_store %arg7[%swap3A_702, %swap3A_703], %swap3A_706 {strides = array<i32>} : memref<128x128xf32, #tpu.memory_space<vmem>>, vector<1x16xf32>,
      %get3A_707 = arith.constant 60 : i32
      %get3A_708 = arith.index_cast %get3A_707 : i32 to index
      %get3A_709 = arith.constant 96 : index
      %get3A_710 = tpu.vector_load %arg6[%get3A_708, %get3A_709] {strides = array<i32>} : memref<80x128xf32, #tpu.memory_space<vmem>>, vector<1x16xf32>,
      %get3A_711 = vector.shape_cast %get3A_710 : vector<1x16xf32> to vector<16xf32>
      %scan3A_712 = arith.constant 1 : i32
      %scan3A_713 = arith.constant 19 : i32
      %scan3A_714 = arith.addi %scan3A_712, %scan3A_713 : i32
      %scan3A_715 = arith.constant 1 : i32
      %scan3A_716 = scf.for %scan3A_753 = %scan3A_712 to %scan3A_714 step %scan3A_715 iter_args(%scan3A_754 = %get3A_711) -> (vector<16xf32>)  : i32 {
        %add3A_755 = arith.constant 60 : i32
        %add3A_756 = arith.addi %add3A_755, %scan3A_753 : i32
        %get3A_757 = arith.index_cast %add3A_756 : i32 to index
        %get3A_758 = arith.constant 96 : index
        %get3A_759 = tpu.vector_load %arg6[%get3A_757, %get3A_758] {strides = array<i32>} : memref<80x128xf32, #tpu.memory_space<vmem>>, vector<1x16xf32>,
        %get3A_760 = vector.shape_cast %get3A_759 : vector<1x16xf32> to vector<16xf32>
        %add3A_761 = arith.addf %scan3A_754, %get3A_760 : vector<16xf32>
        scf.yield %add3A_761 : vector<16xf32>
      }
      %scan3A_717 = arith.constant 19 : i32
      %mul3A_718 = arith.constant 5.000000e-02 : f32
      %mul3A_719 = vector.broadcast %mul3A_718 : f32 to vector<16xf32>
      %mul3A_720 = arith.mulf %scan3A_716, %mul3A_719 : vector<16xf32>
      %mul3A_721 = arith.constant 4 : i32
      %mul3A_722 = arith.muli %scan3A_8, %mul3A_721 : i32
      %add3A_723 = arith.constant 3 : i32
      %add3A_724 = arith.addi %mul3A_722, %add3A_723 : i32
      %swap3A_725 = arith.index_cast %add3A_724 : i32 to index
      %swap3A_726 = arith.constant 96 : index
      %swap3A_727 = tpu.vector_load %arg7[%swap3A_725, %swap3A_726] {strides = array<i32>} : memref<128x128xf32, #tpu.memory_space<vmem>>, vector<1x16xf32>,
      %swap3A_728 = vector.shape_cast %swap3A_727 : vector<1x16xf32> to vector<16xf32>
      %swap3A_729 = vector.shape_cast %mul3A_720 : vector<16xf32> to vector<1x16xf32>
      tpu.vector_store %arg7[%swap3A_725, %swap3A_726], %swap3A_729 {strides = array<i32>} : memref<128x128xf32, #tpu.memory_space<vmem>>, vector<1x16xf32>,
      %get3A_730 = arith.constant 60 : i32
      %get3A_731 = arith.index_cast %get3A_730 : i32 to index
      %get3A_732 = arith.constant 112 : index
      %get3A_733 = tpu.vector_load %arg6[%get3A_731, %get3A_732] {strides = array<i32>} : memref<80x128xf32, #tpu.memory_space<vmem>>, vector<1x16xf32>,
      %get3A_734 = vector.shape_cast %get3A_733 : vector<1x16xf32> to vector<16xf32>
      %scan3A_735 = arith.constant 1 : i32
      %scan3A_736 = arith.constant 19 : i32
      %scan3A_737 = arith.addi %scan3A_735, %scan3A_736 : i32
      %scan3A_738 = arith.constant 1 : i32
      %scan3A_739 = scf.for %scan3A_753 = %scan3A_735 to %scan3A_737 step %scan3A_738 iter_args(%scan3A_754 = %get3A_734) -> (vector<16xf32>)  : i32 {
        %add3A_755 = arith.constant 60 : i32
        %add3A_756 = arith.addi %add3A_755, %scan3A_753 : i32
        %get3A_757 = arith.index_cast %add3A_756 : i32 to index
        %get3A_758 = arith.constant 112 : index
        %get3A_759 = tpu.vector_load %arg6[%get3A_757, %get3A_758] {strides = array<i32>} : memref<80x128xf32, #tpu.memory_space<vmem>>, vector<1x16xf32>,
        %get3A_760 = vector.shape_cast %get3A_759 : vector<1x16xf32> to vector<16xf32>
        %add3A_761 = arith.addf %scan3A_754, %get3A_760 : vector<16xf32>
        scf.yield %add3A_761 : vector<16xf32>
      }
      %scan3A_740 = arith.constant 19 : i32
      %mul3A_741 = arith.constant 5.000000e-02 : f32
      %mul3A_742 = vector.broadcast %mul3A_741 : f32 to vector<16xf32>
      %mul3A_743 = arith.mulf %scan3A_739, %mul3A_742 : vector<16xf32>
      %mul3A_744 = arith.constant 4 : i32
      %mul3A_745 = arith.muli %scan3A_8, %mul3A_744 : i32
      %add3A_746 = arith.constant 3 : i32
      %add3A_747 = arith.addi %mul3A_745, %add3A_746 : i32
      %swap3A_748 = arith.index_cast %add3A_747 : i32 to index
      %swap3A_749 = arith.constant 112 : index
      %swap3A_750 = tpu.vector_load %arg7[%swap3A_748, %swap3A_749] {strides = array<i32>} : memref<128x128xf32, #tpu.memory_space<vmem>>, vector<1x16xf32>,
      %swap3A_751 = vector.shape_cast %swap3A_750 : vector<1x16xf32> to vector<16xf32>
      %swap3A_752 = vector.shape_cast %mul3A_743 : vector<16xf32> to vector<1x16xf32>
      tpu.vector_store %arg7[%swap3A_748, %swap3A_749], %swap3A_752 {strides = array<i32>} : memref<128x128xf32, #tpu.memory_space<vmem>>, vector<1x16xf32>,
    }
    %scan3A_7 = arith.constant 32 : i32
    "tpu.region"() ({
      %run_scoped3A = tpu.sem_alloc : memref<!tpu.dma_semaphore, #tpu.memory_space<semaphore_mem>>
      %dma_start3A = arith.constant 0 : i32
      %dma_start3A_8 = tpu.memref_slice %arg4[%mul3A_2, %dma_start3A] : memref<4096x128xf32, #tpu.memory_space<hbm>> -> memref<128x128xf32, #tpu.memory_space<hbm>>
      %dma_start3A_9 = arith.constant 0 : i32
      %dma_start3A_10 = tpu.memref_slice %arg4[%mul3A_2, %dma_start3A_9] : memref<4096x128xf32, #tpu.memory_space<hbm>> -> memref<128x128xf32, #tpu.memory_space<hbm>>
      tpu.enqueue_dma source(%arg7 : memref<128x128xf32, #tpu.memory_space<vmem>>) target(%dma_start3A_10 : memref<128x128xf32, #tpu.memory_space<hbm>>) target_semaphore(%run_scoped3A : memref<!tpu.dma_semaphore, #tpu.memory_space<semaphore_mem>>)
      %dma_wait3A = arith.constant 0 : i32
      %dma_wait3A_11 = tpu.memref_slice %arg4[%mul3A_2, %dma_wait3A] : memref<4096x128xf32, #tpu.memory_space<hbm>> -> memref<128x128xf32, #tpu.memory_space<hbm>>
      %dma_wait3A_12 = arith.constant 0 : i32
      %dma_wait3A_13 = tpu.memref_slice %arg4[%mul3A_2, %dma_wait3A_12] : memref<4096x128xf32, #tpu.memory_space<hbm>> -> memref<128x128xf32, #tpu.memory_space<hbm>>
      tpu.wait_dma2 semaphore(%run_scoped3A : memref<!tpu.dma_semaphore, #tpu.memory_space<semaphore_mem>>) src(%arg7 : memref<128x128xf32, #tpu.memory_space<vmem>>) dst(%dma_wait3A_13 : memref<128x128xf32, #tpu.memory_space<hbm>>)
      tpu.yield
    }) : () -> ()
    return
  }
}

module attributes {stable_mosaic.version = 14 : i64} {
  func.func @_mm_body(%arg0: i32, %arg1: i32, %arg2: memref<2048x128xf32, #tpu.memory_space<vmem>>, %arg3: memref<512x128xf32, #tpu.memory_space<vmem>>, %arg4: memref<1x512xf32, #tpu.memory_space<vmem>>, %arg5: memref<2048x512xf32, #tpu.memory_space<vmem>>) attributes {dimension_semantics = [#tpu.dimension_semantics<parallel>, #tpu.dimension_semantics<parallel>], iteration_bounds = array<i64: 2, 196>, scalar_prefetch = 0 : i64, scratch_operands = 0 : i64, tpu.core_type = #tpu.core_type<tc>, window_params = [{transform_indices = @transform_0, window_bounds = array<i64: 2048, 128>}, {transform_indices = @transform_1, window_bounds = array<i64: 512, 128>}, {transform_indices = @transform_2, window_bounds = array<i64: 1, 512>}, {transform_indices = @transform_3, window_bounds = array<i64: 2048, 512>}]} {
    %get3A = arith.constant 0 : index
    %get3A_0 = arith.constant 0 : index
    %get3A_1 = vector.load %arg2[%get3A, %get3A_0] : memref<2048x128xf32, #tpu.memory_space<vmem>>, vector<2048x128xf32>
    %get3A_2 = arith.constant 0 : index
    %get3A_3 = arith.constant 0 : index
    %get3A_4 = vector.load %arg3[%get3A_2, %get3A_3] : memref<512x128xf32, #tpu.memory_space<vmem>>, vector<512x128xf32>
    %dot_general3A = arith.constant dense<0.000000e+00> : vector<2048x512xf32>
    %dot_general3A_5 = tpu.matmul %get3A_1, %get3A_4, %dot_general3A {dimension_numbers = #tpu.dot_dimension_numbers<[1], [1], [0], [0], [0, 0, 1, 0], [], []>, transpose_lhs_hint = false} : vector<2048x128xf32>, vector<512x128xf32>, vector<2048x512xf32> -> vector<2048x512xf32>
    %get3A_6 = arith.constant 0 : index
    %get3A_7 = arith.constant 0 : index
    %get3A_8 = vector.load %arg4[%get3A_6, %get3A_7] : memref<1x512xf32, #tpu.memory_space<vmem>>, vector<1x512xf32>
    %add3A = vector.broadcast %get3A_8 : vector<1x512xf32> to vector<2048x512xf32>
    %add3A_9 = arith.addf %dot_general3A_5, %add3A : vector<2048x512xf32>
    %swap3A = arith.constant 0 : index
    %swap3A_10 = arith.constant 0 : index
    %swap3A_11 = vector.load %arg5[%swap3A, %swap3A_10] : memref<2048x512xf32, #tpu.memory_space<vmem>>, vector<2048x512xf32>
    tpu.vector_store %arg5[%swap3A, %swap3A_10], %add3A_9 {strides = array<i32>} : memref<2048x512xf32, #tpu.memory_space<vmem>>, vector<2048x512xf32>,
    return
  }
  func.func @transform_0(%arg0: i32, %arg1: i32) -> (i32, i32) {
    %c0_i32 = arith.constant 0 : i32
    %c0_i32_0 = arith.constant 0 : i32
    return %arg0, %c0_i32 : i32, i32
  }
  func.func @transform_1(%arg0: i32, %arg1: i32) -> (i32, i32) {
    %c0_i32 = arith.constant 0 : i32
    %c0_i32_0 = arith.constant 0 : i32
    return %arg1, %c0_i32 : i32, i32
  }
  func.func @transform_2(%arg0: i32, %arg1: i32) -> (i32, i32) {
    %c0_i32 = arith.constant 0 : i32
    %c0_i32_0 = arith.constant 0 : i32
    return %c0_i32, %arg1 : i32, i32
  }
  func.func @transform_3(%arg0: i32, %arg1: i32) -> (i32, i32) {
    %c0_i32 = arith.constant 0 : i32
    return %arg0, %arg1 : i32, i32
  }
}

</mosaic_0001>

<sc_bundles>
// kernel: kernel.4.cloned.1.call-start
scs
__scs_entry_jumppad:
0x0: {  	(pc) =	sbr.rel $0x88, $3  }
0x1: {  	(tag) =	ssettag $0x0;
	lr =	simm.s32 $0x1  }
0x2: {  	[smem:$0x3F9D] =	sst lr;
	_ =	strace $0xD0000000  }
0x3: {  	_ = 	snop  }
0x4: {  	_ = 	snop  }
0x5: {  	_ = 	snop  }
0x6: {  	_ = 	snop  }
0x7: {  	_ = 	snop  }
__scs_overlays_trampoline_lowered:
0x8: {  	[smem:$0x3FAC] =	sst s0  }
0x9: {  	[smem:$0x3FAD] =	sst s1  }
0xa: {  	[smem:$0x3FAE] =	sst s2  }
0xb: {  	[smem:$0x3FAF] =	sst s3  }
0xc: {  	[smem:$0x3FB0] =	sst s4  }
0xd: {  	[smem:$0x3FB1] =	sst s5  }
0xe: {  	[smem:$0x3FB2] =	sst s6  }
0xf: {  	[smem:$0x3FB3] =	sst s7  }
0x10: {  	[smem:$0x3FB4] =	sst s8  }
0x11: {  	[smem:$0x3FB5] =	sst s9;
	s0 =	simm.s32 @!p0 $0x0  }
0x12: {  	s1 =	sld [smem:$0x3F9B];
	s0 =	simm.s32 @p0 $0x1  }
0x13: {  	[smem:$0x3FB6] =	sst s0;
	s0 =	simm.s32 @!p1 $0x0  }
0x14: {  	s2 =	sld [smem:$0x3F9A];
	s0 =	simm.s32 @p1 $0x1  }
0x15: {  	[smem:$0x3FB7] =	sst s0;
	s0 =	simm.s32 @!p2 $0x0  }
0x16: {  	s3 =	sld [smem:$0x3FDB];
	s0 =	simm.s32 @p2 $0x1  }
0x17: {  	s4 =	simm.s32 $0x1BF5;
	[smem:$0x3FB9] =	sst s0  }
0x18: {  	s0 =	sld [smem:$0x3F9C];
	_ =	swait.ge [sflag:s4], $0x0  }
0x19: {  	s7 =	sld [smem:$0x3F9D]  }
0x1a: {  	s8 =	sadd.s32 $0xFFFFE003, lr  }
0x1b: {  	s9 =	sadd.s32 $0xFFFFFEF7, lr;
	s5 =	simm.s32 $0xFFFFFFFF;
	p2 =	slt.u32 s8, $0xFFFFF086  }
0x1c: {  	p1 =	slt.u32 s9, $0xF7A;
	s5 =	simm.s32 @!p2 $0x0  }
0x1d: {  	s5 =	simm.s32 @p1 $0x1;
	p0 =	seq.s32 s7, s2  }
0x1e: {  	s7 =	smul.u32 @!p0 $0xF7A, s2;
	p2 =	seq.s32 @!p0 s5, $0x0  }
0x1f: {  	s9 =	smul.u32 $0xF7A, s1;
	s8 =	simm.s32 @!p0 $0x1BF5;
	p2 =	por !p2, p0  }
0x20: {  	[sflag:s8] =	ssyncset.s32 @!p0 $0xFFFFF086;
	s6 =	sadd.s32 @!p0 s3, s7;
	s7 =	simm.s32 @!p0 $0x108  }
0x21: {  	s3 =	sadd.s32 s3, s9;
	s6 =	sadd.s32 @!p0 $0x88, s6;
	s7 =	simm.s32 @p2 $0x1082  }
0x22: {  	[simem:s7], [sflag:s8] =	dma.local @!p0 [hbm:s6], $0xF7A  }
0x23: {  	s9 =	sor.u32 $0xD0000000, s2;
	s6 =	simm.s32 $0x108;
	_ =	swait.ge @!p0 [sflag:s8], $0x0  }
0x24: {  	s3 =	sadd.s32 $0x88, s3;
	s6 =	simm.s32 @!p1 $0x1082;
	[sflag:s4] =	ssyncset.s32 $0xFFFFF086  }
0x25: {  	[simem:s6], [sflag:s4] =	dma.local [hbm:s3], $0xF7A  }
0x26: {  	[smem:$0x3F9D] =	sst s1;
	(tag) =	ssettag s2;
	_ =	strace s9  }
0x27: {  	s1 =	sld [smem:$0x3FAD]  }
0x28: {  	s2 =	sld [smem:$0x3FAE]  }
0x29: {  	s4 =	sld [smem:$0x3FB0]  }
0x2a: {  	p0 =	seq.s32 s5, $0x0;
	s5 =	sld [smem:$0x3FB1]  }
0x2b: {  	s6 =	sld [smem:$0x3FB2]  }
0x2c: {  	s7 =	sld [smem:$0x3FB3]  }
0x2d: {  	s3 =	simm.s32 $0x108;
	s8 =	sld [smem:$0x3FB4]  }
0x2e: {  	s3 =	simm.s32 @!p0 $0x1082;
	s9 =	sld [smem:$0x3FB5]  }
0x2f: {  	lr =	sadd.s32 s0, s3;
	s0 =	sld [smem:$0x3FAC]  }
0x30: {  	s3 =	sld [smem:$0x3FAF]  }
0x31: {  	[smem:$0x3FB8] =	sst s10  }
0x32: {  	s10 =	sld [smem:$0x3FB6];
	_ =	sdelay $0x3  }
0x33: {  	p0 =	seq.s32 s10, $0x1;
	s10 =	sld [smem:$0x3FB8];
	_ =	sdelay $0x3  }
0x34: {  	[smem:$0x3FB8] =	sst s10  }
0x35: {  	s10 =	sld [smem:$0x3FB7];
	_ =	sdelay $0x3  }
0x36: {  	p1 =	seq.s32 s10, $0x1;
	s10 =	sld [smem:$0x3FB8];
	_ =	sdelay $0x3  }
0x37: {  	[smem:$0x3FB8] =	sst s10  }
0x38: {  	s10 =	sld [smem:$0x3FB9]  }
0x39: {  	_ = 	snop;
	(pc) =	sbr.ind lr, $3  }
0x3a: {  	_ = 	snop  }
0x3b: {  	_ = 	snop  }
0x3c: {  	p2 =	seq.s32 s10, $0x1;
	s10 =	sld [smem:$0x3FB8]  }
0x3d: {  	_ =	shalt  }
0x3e: {  	_ =	shalt  }
0x3f: {  	_ =	shalt  }
0x40: {  	_ =	shalt  }
0x41: {  	_ =	shalt  }
0x42: {  	_ =	shalt  }
0x43: {  	_ =	shalt  }
0x44: {  	_ =	shalt  }
0x45: {  	_ =	shalt  }
0x46: {  	_ =	shalt  }
0x47: {  	_ =	shalt  }
0x48: {  	_ =	shalt  }
0x49: {  	_ =	shalt  }
0x4a: {  	_ =	shalt  }
0x4b: {  	_ =	shalt  }
0x4c: {  	_ =	shalt  }
0x4d: {  	_ =	shalt  }
0x4e: {  	_ =	shalt  }
0x4f: {  	_ =	shalt  }
0x50: {  	_ =	shalt  }
0x51: {  	_ =	shalt  }
0x52: {  	_ =	shalt  }
0x53: {  	_ =	shalt  }
0x54: {  	_ =	shalt  }
0x55: {  	_ =	shalt  }
0x56: {  	_ =	shalt  }
0x57: {  	_ =	shalt  }
0x58: {  	_ =	shalt  }
0x59: {  	_ =	shalt  }
0x5a: {  	_ =	shalt  }
0x5b: {  	_ =	shalt  }
0x5c: {  	_ =	shalt  }
0x5d: {  	_ =	shalt  }
0x5e: {  	_ =	shalt  }
0x5f: {  	_ =	shalt  }
0x60: {  	_ =	shalt  }
0x61: {  	_ =	shalt  }
0x62: {  	_ =	shalt  }
0x63: {  	_ =	shalt  }
0x64: {  	_ =	shalt  }
0x65: {  	_ =	shalt  }
0x66: {  	_ =	shalt  }
0x67: {  	_ =	shalt  }
0x68: {  	_ =	shalt  }
0x69: {  	_ =	shalt  }
0x6a: {  	_ =	shalt  }
0x6b: {  	_ =	shalt  }
0x6c: {  	_ =	shalt  }
0x6d: {  	_ =	shalt  }
0x6e: {  	_ =	shalt  }
0x6f: {  	_ =	shalt  }
0x70: {  	_ =	shalt  }
0x71: {  	_ =	shalt  }
0x72: {  	_ =	shalt  }
0x73: {  	_ =	shalt  }
0x74: {  	_ =	shalt  }
0x75: {  	_ =	shalt  }
0x76: {  	_ =	shalt  }
0x77: {  	_ =	shalt  }
0x78: {  	_ =	shalt  }
0x79: {  	_ =	shalt  }
0x7a: {  	_ =	shalt  }
0x7b: {  	_ =	shalt  }
0x7c: {  	_ =	shalt  }
0x7d: {  	_ =	shalt  }
0x7e: {  	_ =	shalt  }
0x7f: {  	_ =	shalt  }
0x80: {  	_ =	shalt  }
0x81: {  	_ =	shalt  }
0x82: {  	_ =	shalt  }
0x83: {  	_ =	shalt  }
0x84: {  	_ =	shalt  }
0x85: {  	_ =	shalt  }
0x86: {  	_ =	shalt  }
0x87: {  	_ =	shalt  }
.Lfunc_end0:
.L_simem_size_0:
called_computation_lowered:
.L_overlay_start_0:
0x88: {  	s2 =	sld [smem:$0x3FD9]  }
0x89: {  	s3 =	sld [smem:$0x3FFE];
	_ =	sdelay $0x1  }
0x8a: {  	s1 =	srdreg.scid  }
0x8b: {  	s0 =	sand.u32 $0x1, s1  }
0x8c: {  	s17 =	sshll.u32 s0, $0xA;
	s2 =	sadd.s32 s3, s2  }
0x8d: {  	s2 =	sadd.s32 s2, s17  }
0x8e: {  	[smem:$0x3FC4] =	sst s2  }
0x8f: {  	_ = 	snop  }
0x90: {  	s2 =	sld [smem:$0x3FC8]  }
0x91: {  	s18 =	sld [smem:$0x3FD0];
	(tm) =	ssettm $0x1  }
0x92: {  	s4 =	sld [smem:$0x3FFB];
	_ =	sdelay $0x3  }
0x93: {  	_ =	strace s4  }
0x94: {  	s4 =	sld [smem:$0x3FFC];
	_ =	sdelay $0x3  }
0x95: {  	_ =	strace s4  }
0x96: {  	s4 =	sld [smem:$0x3FFD];
	_ =	sdelay $0x3  }
0x97: {  	_ =	strace s4  }
0x98: {  	_ =	strace $0x8FFFFFFF  }
0x99: {  	s19 =	sld [smem:$0x3FDB];
	_ =	sdelay $0x1  }
0x9a: {  	s5 =	simm.s32 $_scs_section_size  }
0x9b: {  	s6 =	simm.s32 $_size__tile_overlayer_lowered;
	s7 =	simm.s32 $_tile_overlayer_lowered  }
0x9c: {  	s22 =	simm.s32 $0x1BFF;
	s21 =	sshll.u32 s7, $0x1;
	s4 =	sadd.s32 s5, s19  }
0x9d: {  	s8 =	simm.s32 $0x0;
	s20 =	sshll.u32 s6, $0x1;
	s6 =	sadd.s32 s21, s4  }
0x9e: {  	[timem:s8], [sflag:s22] =	dma.local [hbm:s6], s20  }
0x9f: {  	_ =	swait.ge [sflag:s22], s20  }
0xa0: {  	s5 =	ssub.s32 $0x0, s20;
	[sflag:s22] =	ssyncset.done $0x0  }
0xa1: {  	[sflag:s22] =	ssyncadd.s32 s5;
	_ =	sdelay $0x1  }
0xa2: {  	s23 =	simm.s32 $0x1B8B  }
0xa3: {  	_ =	swait.ge [sflag:s23], $0x1  }
0xa4: {  	[sflag:s23] =	ssyncset.done $0x0  }
0xa5: {  	s25 =	simm.s32 $0x1B8E;
	s24 =	sld [smem:$0x3FFE];
	[sflag:s23] =	ssyncadd.s32 $0xFFFFFFFF  }
0xa6: {  	s26 =	simm.s32 $execute0_lowered;
	[smem:$0x3FD2] =	sst s25  }
0xa7: {  	s6 =	sshll.u32 s26, $0x1;
	_ =	strace $0x80000046;
	[dreg:$0x1] =	wrdreg $0xFFFFFFFF  }
0xa8: {  	s28 =	simm.s32 $_size_execute0_lowered;
	s4 =	sadd.s32 s4, s6;
	[dreg:$0x0] =	wrdreg $0x0  }
0xa9: {  	s6 =	sshll.u32 s28, $0x1;
	[dreg:$0x2] =	wrdreg s4  }
0xaa: {  	[dreg:$0x3] =	wrdreg s6  }
0xab: {  	[dreg:$0x4] =	wrdreg $0xC0  }
0xac: {  	_ =	task [dreg:s8], $0x5FFFF  }
0xad: {  	[dreg:$0x1] =	wrdreg $0xFFFFFFFF  }
0xae: {  	[dreg:$0x0] =	wrdreg $0x60  }
0xaf: {  	[dreg:$0x2] =	wrdreg s24  }
0xb0: {  	[dreg:$0x3] =	wrdreg s2  }
0xb1: {  	[dreg:$0x4] =	wrdreg s18  }
0xb2: {  	[dreg:$0x5] =	wrdreg $0x9  }
0xb3: {  	_ =	task.clear_ibuf [dreg:s8], $0x6FFFF;
	_ =	strace $0x90000046  }
0xb4: {  	s29 =	simm.s32 $0x9;
	_ =	strace $0x80000048  }
0xb5: {  	_ =	swait.ge [sflag:s29], $0x1  }
0xb6: {  	[sflag:s29] =	ssyncadd.s32 $0xFFFFFFFF  }
0xb7: {  	_ =	strace $0x90000048  }
0xb8: {  	_ =	sfence  }
0xb9: {  	s30 =	sld [smem:$0x0];
	_ =	sdelay $0x2  }
0xba: {  	s31 =	sshll.u32 s1, $0xD;
	s1 =	sshrl.u32 s1, $0x2  }
0xbb: {  	s3 =	sand.u32 $0x4000, s31;
	s1 =	sadd.s32 s1, s30  }
0xbc: {  	s0 =	sor.u32 s3, s0;
	s1 =	sshll.u32 s1, $0x11  }
0xbd: {  	s0 =	sor.u32 s1, s0  }
0xbe: {  	s0 =	sadd.s32 $0x8F2B, s0  }
0xbf: {  	[sflag:s0] =	ssyncadd.remote.s32 $0x1  }
0xc0: {  	_ =	sfence.sel $0xFFFF  }
0xc1: {  	[dreg:$0x0] =	wrdreg $0xFFFFFFFF;
	(pc) =	sbr.abs _section_cstart, $3  }
0xc2: {  	[dreg:$0x1] =	wrdreg $0xFFFFFFFF  }
0xc3: {  	_ =	task.clear_ibuf [dreg:s8], $0x2FFFF;
	_ =	strace $0x9FFFFFFF  }
0xc4: {  	(tm) =	ssettm $0x7FFFFFFF  }
0xc5: {  	_ =	shalt  }
tec
execute0_lowered:
.L_overlay_start_1:
0x0: {  	(tag) =	ssettag $0x1  }
0x1: {  	s4 =	rddreg [dreg:$0x0]  }
0x2: {  	s2 =	rddreg [dreg:$0x1]  }
0x3: {  	s5 =	rddreg [dreg:$0x2]  }
0x4: {  	s0 =	rddreg [dreg:$0x3]  }
0x5: {  	s6 =	srdreg.scid;
	s1 =	stileid.u32  }
0x6: {  	s3 =	simm.s32 $0x0;
	s10 =	simm.s32 $0x1;
	s11 =	simm.s32 $0x3800  }
0x7: {  	s12 =	simm.s32 $0x0;
	s6 =	sand.u32 $0x1, s6;
	s7 =	sshll.u32 s1, $0x1  }
0x8: {  	[smem:$0x7FF] =	sst s3;
	s7 =	sor.u32 s6, s7;
	s6 =	ssub.s32 $0x2, s6  }
0x9: {  	_ =	strace $0x80000047;
	s8 =	sshll.u32 s7, $0x9;
	s9 =	sshrl.u32 s6, $0x1  }
0xa: {  	s7 =	sshll.u32 s7, $0xB;
	s4 =	sadd.s32 s8, s4;
	s6 =	ssub.s32 s6, s9  }
0xb: {  	s5 =	sadd.s32 s5, s7;
	s7 =	simm.s32 $0x2;
	s8 =	simm.s32 $0x50  }
0xc: {  	s9 =	simm.s32 $0x1000;
	s4 =	sadd.s32 $0x800, s4;
	s6 =	smax.u32 s6, $0x1  }
.LBB2_1:
0xd: {  	[tilespmem:s3], [sflag:$0x2] =	stream.linear.gather [hbm4b:s4+s3], $0x1000, $0x38;
	[tilespmem:$0x7800] =	vst v63  }
0xe: {  	_ =	swait.ge [sflag:s7], $0x1000  }
0xf: {  	[sflag:s7] =	ssyncset.done $0x0  }
0x10: {  	s13 =	simm.s32 $0x3900;
	s14 =	simm.s32 $0x0;
	[sflag:s7] =	ssyncadd.s32 $0xFFFFF000  }
.LBB2_2:
0x11: {  	s15 =	sshra.s32 s14, $0x2  }
0x12: {  	[tilespmem:s9], [sflag:$0x1] =	stream.indirect.gather [hbm4b:s2+s8], $0x80, s15, s8, $0xb8;
	[tilespmem:$0x7800] =	vst v63  }
0x13: {  	_ =	swait.ge [sflag:s10], $0x2800  }
0x14: {  	[sflag:s10] =	ssyncset.done $0x0  }
0x15: {  	[sflag:s10] =	ssyncadd.s32 $0xFFFFD800  }
0x16: {  	v0 =	vld [tilespmem:$0x1000]  }
0x17: {  	v1 =	vld [tilespmem:$0x1080];
	_ =	sdelay $0x1  }
0x18: {  	v2 =	vld [tilespmem:$0x1100];
	_ =	sdelay $0x1  }
0x19: {  	v3 =	vld [tilespmem:$0x1180]  }
0x1a: {  	v0 =	vadd.f32 v1, v0  }
0x1b: {  	v39 =	vld [tilespmem:$0x1200]  }
0x1c: {  	v0 =	vadd.f32 v2, v0  }
0x1d: {  	v40 =	vld [tilespmem:$0x1280]  }
0x1e: {  	v0 =	vadd.f32 v3, v0  }
0x1f: {  	v41 =	vld [tilespmem:$0x1300]  }
0x20: {  	v0 =	vadd.f32 v39, v0  }
0x21: {  	v42 =	vld [tilespmem:$0x1380]  }
0x22: {  	v0 =	vadd.f32 v40, v0  }
0x23: {  	v43 =	vld [tilespmem:$0x1400]  }
0x24: {  	v0 =	vadd.f32 v41, v0  }
0x25: {  	v44 =	vld [tilespmem:$0x1480]  }
0x26: {  	v0 =	vadd.f32 v42, v0  }
0x27: {  	v45 =	vld [tilespmem:$0x1500]  }
0x28: {  	v0 =	vadd.f32 v43, v0  }
0x29: {  	v46 =	vld [tilespmem:$0x1580]  }
0x2a: {  	v0 =	vadd.f32 v44, v0  }
0x2b: {  	v47 =	vld [tilespmem:$0x1600]  }
0x2c: {  	v0 =	vadd.f32 v45, v0  }
0x2d: {  	v48 =	vld [tilespmem:$0x1680]  }
0x2e: {  	v0 =	vadd.f32 v46, v0  }
0x2f: {  	v49 =	vld [tilespmem:$0x1700]  }
0x30: {  	v0 =	vadd.f32 v47, v0  }
0x31: {  	v50 =	vld [tilespmem:$0x1780]  }
0x32: {  	v0 =	vadd.f32 v48, v0  }
0x33: {  	v51 =	vld [tilespmem:$0x1800]  }
0x34: {  	v0 =	vadd.f32 v49, v0  }
0x35: {  	v52 =	vld [tilespmem:$0x1880]  }
0x36: {  	v0 =	vadd.f32 v50, v0  }
0x37: {  	v53 =	vld [tilespmem:$0x1900]  }
0x38: {  	v0 =	vadd.f32 v51, v0  }
0x39: {  	v54 =	vld [tilespmem:$0x1980]  }
0x3a: {  	v0 =	vadd.f32 v52, v0;
	_ =	sdelay $0x1  }
0x3b: {  	v0 =	vadd.f32 v53, v0;
	_ =	sdelay $0x1  }
0x3c: {  	v0 =	vadd.f32 v54, v0;
	_ =	sdelay $0x1  }
0x3d: {  	v0 =	vmul.f32 $5.000000070e-02, v0;
	_ =	sdelay $0x1  }
0x3e: {  	[tilespmem:s13+$0xFFFFFF00] =	vst v0  }
0x3f: {  	v0 =	vld [tilespmem:$0x1010]  }
0x40: {  	v55 =	vld [tilespmem:$0x1090];
	_ =	sdelay $0x1  }
0x41: {  	v56 =	vld [tilespmem:$0x1110];
	_ =	sdelay $0x1  }
0x42: {  	v57 =	vld [tilespmem:$0x1190]  }
0x43: {  	v0 =	vadd.f32 v55, v0  }
0x44: {  	v58 =	vld [tilespmem:$0x1210]  }
0x45: {  	v0 =	vadd.f32 v56, v0  }
0x46: {  	v59 =	vld [tilespmem:$0x1290]  }
0x47: {  	v0 =	vadd.f32 v57, v0  }
0x48: {  	v60 =	vld [tilespmem:$0x1310]  }
0x49: {  	v0 =	vadd.f32 v58, v0  }
0x4a: {  	v61 =	vld [tilespmem:$0x1390]  }
0x4b: {  	v0 =	vadd.f32 v59, v0  }
0x4c: {  	v62 =	vld [tilespmem:$0x1410]  }
0x4d: {  	v0 =	vadd.f32 v60, v0  }
0x4e: {  	v63 =	vld [tilespmem:$0x1490]  }
0x4f: {  	v0 =	vadd.f32 v61, v0  }
0x50: {  	v6 =	vld [tilespmem:$0x1510]  }
0x51: {  	v0 =	vadd.f32 v62, v0  }
0x52: {  	v7 =	vld [tilespmem:$0x1590]  }
0x53: {  	v0 =	vadd.f32 v63, v0  }
0x54: {  	v8 =	vld [tilespmem:$0x1610]  }
0x55: {  	v0 =	vadd.f32 v6, v0  }
0x56: {  	v9 =	vld [tilespmem:$0x1690]  }
0x57: {  	v0 =	vadd.f32 v7, v0  }
0x58: {  	v10 =	vld [tilespmem:$0x1710]  }
0x59: {  	v0 =	vadd.f32 v8, v0  }
0x5a: {  	v11 =	vld [tilespmem:$0x1790]  }
0x5b: {  	v0 =	vadd.f32 v9, v0  }
0x5c: {  	v12 =	vld [tilespmem:$0x1810]  }
0x5d: {  	v0 =	vadd.f32 v10, v0  }
0x5e: {  	v13 =	vld [tilespmem:$0x1890]  }
0x5f: {  	v0 =	vadd.f32 v11, v0  }
0x60: {  	v14 =	vld [tilespmem:$0x1910]  }
0x61: {  	v0 =	vadd.f32 v12, v0  }
0x62: {  	v15 =	vld [tilespmem:$0x1990]  }
0x63: {  	v0 =	vadd.f32 v13, v0;
	_ =	sdelay $0x1  }
0x64: {  	v0 =	vadd.f32 v14, v0;
	_ =	sdelay $0x1  }
0x65: {  	v0 =	vadd.f32 v15, v0;
	_ =	sdelay $0x1  }
0x66: {  	v0 =	vmul.f32 $5.000000070e-02, v0;
	_ =	sdelay $0x1  }
0x67: {  	[tilespmem:s13+$0xFFFFFF10] =	vst v0  }
0x68: {  	v0 =	vld [tilespmem:$0x1020]  }
0x69: {  	v16 =	vld [tilespmem:$0x10A0];
	_ =	sdelay $0x1  }
0x6a: {  	v17 =	vld [tilespmem:$0x1120];
	_ =	sdelay $0x1  }
0x6b: {  	v18 =	vld [tilespmem:$0x11A0]  }
0x6c: {  	v0 =	vadd.f32 v16, v0  }
0x6d: {  	v19 =	vld [tilespmem:$0x1220]  }
0x6e: {  	v0 =	vadd.f32 v17, v0  }
0x6f: {  	v20 =	vld [tilespmem:$0x12A0]  }
0x70: {  	v0 =	vadd.f32 v18, v0  }
0x71: {  	v21 =	vld [tilespmem:$0x1320]  }
0x72: {  	v0 =	vadd.f32 v19, v0  }
0x73: {  	v22 =	vld [tilespmem:$0x13A0]  }
0x74: {  	v0 =	vadd.f32 v20, v0  }
0x75: {  	v23 =	vld [tilespmem:$0x1420]  }
0x76: {  	v0 =	vadd.f32 v21, v0  }
0x77: {  	v24 =	vld [tilespmem:$0x14A0]  }
0x78: {  	v0 =	vadd.f32 v22, v0  }
0x79: {  	v25 =	vld [tilespmem:$0x1520]  }
0x7a: {  	v0 =	vadd.f32 v23, v0  }
0x7b: {  	v26 =	vld [tilespmem:$0x15A0]  }
0x7c: {  	v0 =	vadd.f32 v24, v0  }
0x7d: {  	v27 =	vld [tilespmem:$0x1620]  }
0x7e: {  	v0 =	vadd.f32 v25, v0  }
0x7f: {  	v28 =	vld [tilespmem:$0x16A0]  }
0x80: {  	v0 =	vadd.f32 v26, v0  }
0x81: {  	v29 =	vld [tilespmem:$0x1720]  }
0x82: {  	v0 =	vadd.f32 v27, v0  }
0x83: {  	v30 =	vld [tilespmem:$0x17A0]  }
0x84: {  	v0 =	vadd.f32 v28, v0  }
0x85: {  	v31 =	vld [tilespmem:$0x1820]  }
0x86: {  	v0 =	vadd.f32 v29, v0  }
0x87: {  	v32 =	vld [tilespmem:$0x18A0]  }
0x88: {  	v0 =	vadd.f32 v30, v0  }
0x89: {  	v33 =	vld [tilespmem:$0x1920]  }
0x8a: {  	v0 =	vadd.f32 v31, v0  }
0x8b: {  	v34 =	vld [tilespmem:$0x19A0]  }
0x8c: {  	v0 =	vadd.f32 v32, v0;
	_ =	sdelay $0x1  }
0x8d: {  	v0 =	vadd.f32 v33, v0;
	_ =	sdelay $0x1  }
0x8e: {  	v0 =	vadd.f32 v34, v0;
	_ =	sdelay $0x1  }
0x8f: {  	v0 =	vmul.f32 $5.000000070e-02, v0;
	_ =	sdelay $0x1  }
0x90: {  	[tilespmem:s13+$0xFFFFFF20] =	vst v0  }
0x91: {  	v0 =	vld [tilespmem:$0x1030]  }
0x92: {  	v35 =	vld [tilespmem:$0x10B0];
	_ =	sdelay $0x1  }
0x93: {  	v36 =	vld [tilespmem:$0x1130];
	_ =	sdelay $0x1  }
0x94: {  	v37 =	vld [tilespmem:$0x11B0]  }
0x95: {  	v0 =	vadd.f32 v35, v0  }
0x96: {  	v38 =	vld [tilespmem:$0x1230]  }
0x97: {  	v0 =	vadd.f32 v36, v0  }
0x98: {  	v39 =	vld [tilespmem:$0x12B0]  }
0x99: {  	v0 =	vadd.f32 v37, v0  }
0x9a: {  	v40 =	vld [tilespmem:$0x1330]  }
0x9b: {  	v0 =	vadd.f32 v38, v0  }
0x9c: {  	v41 =	vld [tilespmem:$0x13B0]  }
0x9d: {  	v0 =	vadd.f32 v39, v0  }
0x9e: {  	v42 =	vld [tilespmem:$0x1430]  }
0x9f: {  	v0 =	vadd.f32 v40, v0  }
0xa0: {  	v43 =	vld [tilespmem:$0x14B0]  }
0xa1: {  	v0 =	vadd.f32 v41, v0  }
0xa2: {  	v44 =	vld [tilespmem:$0x1530]  }
0xa3: {  	v0 =	vadd.f32 v42, v0  }
0xa4: {  	v45 =	vld [tilespmem:$0x15B0]  }
0xa5: {  	v0 =	vadd.f32 v43, v0  }
0xa6: {  	v46 =	vld [tilespmem:$0x1630]  }
0xa7: {  	v0 =	vadd.f32 v44, v0  }
0xa8: {  	v47 =	vld [tilespmem:$0x16B0]  }
0xa9: {  	v0 =	vadd.f32 v45, v0  }
0xaa: {  	v48 =	vld [tilespmem:$0x1730]  }
0xab: {  	v0 =	vadd.f32 v46, v0  }
0xac: {  	v49 =	vld [tilespmem:$0x17B0]  }
0xad: {  	v0 =	vadd.f32 v47, v0  }
0xae: {  	v50 =	vld [tilespmem:$0x1830]  }
0xaf: {  	v0 =	vadd.f32 v48, v0  }
0xb0: {  	v51 =	vld [tilespmem:$0x18B0]  }
0xb1: {  	v0 =	vadd.f32 v49, v0  }
0xb2: {  	v52 =	vld [tilespmem:$0x1930]  }
0xb3: {  	v0 =	vadd.f32 v50, v0  }
0xb4: {  	v53 =	vld [tilespmem:$0x19B0]  }
0xb5: {  	v0 =	vadd.f32 v51, v0;
	_ =	sdelay $0x1  }
0xb6: {  	v0 =	vadd.f32 v52, v0;
	_ =	sdelay $0x1  }
0xb7: {  	v0 =	vadd.f32 v53, v0;
	_ =	sdelay $0x1  }
0xb8: {  	v0 =	vmul.f32 $5.000000070e-02, v0;
	_ =	sdelay $0x1  }
0xb9: {  	[tilespmem:s13+$0xFFFFFF30] =	vst v0  }
0xba: {  	v0 =	vld [tilespmem:$0x1040]  }
0xbb: {  	v54 =	vld [tilespmem:$0x10C0];
	_ =	sdelay $0x1  }
0xbc: {  	v55 =	vld [tilespmem:$0x1140];
	_ =	sdelay $0x1  }
0xbd: {  	v56 =	vld [tilespmem:$0x11C0]  }
0xbe: {  	v0 =	vadd.f32 v54, v0  }
0xbf: {  	v57 =	vld [tilespmem:$0x1240]  }
0xc0: {  	v0 =	vadd.f32 v55, v0  }
0xc1: {  	v58 =	vld [tilespmem:$0x12C0]  }
0xc2: {  	v0 =	vadd.f32 v56, v0  }
0xc3: {  	v59 =	vld [tilespmem:$0x1340]  }
0xc4: {  	v0 =	vadd.f32 v57, v0  }
0xc5: {  	v60 =	vld [tilespmem:$0x13C0]  }
0xc6: {  	v0 =	vadd.f32 v58, v0  }
0xc7: {  	v61 =	vld [tilespmem:$0x1440]  }
0xc8: {  	v0 =	vadd.f32 v59, v0  }
0xc9: {  	v62 =	vld [tilespmem:$0x14C0]  }
0xca: {  	v0 =	vadd.f32 v60, v0  }
0xcb: {  	v63 =	vld [tilespmem:$0x1540]  }
0xcc: {  	v0 =	vadd.f32 v61, v0  }
0xcd: {  	v6 =	vld [tilespmem:$0x15C0]  }
0xce: {  	v0 =	vadd.f32 v62, v0  }
0xcf: {  	v7 =	vld [tilespmem:$0x1640]  }
0xd0: {  	v0 =	vadd.f32 v63, v0  }
0xd1: {  	v8 =	vld [tilespmem:$0x16C0]  }
0xd2: {  	v0 =	vadd.f32 v6, v0  }
0xd3: {  	v9 =	vld [tilespmem:$0x1740]  }
0xd4: {  	v0 =	vadd.f32 v7, v0  }
0xd5: {  	v10 =	vld [tilespmem:$0x17C0]  }
0xd6: {  	v0 =	vadd.f32 v8, v0  }
0xd7: {  	v11 =	vld [tilespmem:$0x1840]  }
0xd8: {  	v0 =	vadd.f32 v9, v0  }
0xd9: {  	v12 =	vld [tilespmem:$0x18C0]  }
0xda: {  	v0 =	vadd.f32 v10, v0  }
0xdb: {  	v13 =	vld [tilespmem:$0x1940]  }
0xdc: {  	v0 =	vadd.f32 v11, v0  }
0xdd: {  	v14 =	vld [tilespmem:$0x19C0]  }
0xde: {  	v0 =	vadd.f32 v12, v0;
	_ =	sdelay $0x1  }
0xdf: {  	v0 =	vadd.f32 v13, v0;
	_ =	sdelay $0x1  }
0xe0: {  	v0 =	vadd.f32 v14, v0;
	_ =	sdelay $0x1  }
0xe1: {  	v0 =	vmul.f32 $5.000000070e-02, v0;
	_ =	sdelay $0x1  }
0xe2: {  	[tilespmem:s13+$0xFFFFFF40] =	vst v0  }
0xe3: {  	v0 =	vld [tilespmem:$0x1050]  }
0xe4: {  	v15 =	vld [tilespmem:$0x10D0];
	_ =	sdelay $0x1  }
0xe5: {  	v16 =	vld [tilespmem:$0x1150];
	_ =	sdelay $0x1  }
0xe6: {  	v17 =	vld [tilespmem:$0x11D0]  }
0xe7: {  	v0 =	vadd.f32 v15, v0  }
0xe8: {  	v18 =	vld [tilespmem:$0x1250]  }
0xe9: {  	v0 =	vadd.f32 v16, v0  }
0xea: {  	v19 =	vld [tilespmem:$0x12D0]  }
0xeb: {  	v0 =	vadd.f32 v17, v0  }
0xec: {  	v20 =	vld [tilespmem:$0x1350]  }
0xed: {  	v0 =	vadd.f32 v18, v0  }
0xee: {  	v21 =	vld [tilespmem:$0x13D0]  }
0xef: {  	v0 =	vadd.f32 v19, v0  }
0xf0: {  	v22 =	vld [tilespmem:$0x1450]  }
0xf1: {  	v0 =	vadd.f32 v20, v0  }
0xf2: {  	v23 =	vld [tilespmem:$0x14D0]  }
0xf3: {  	v0 =	vadd.f32 v21, v0  }
0xf4: {  	v24 =	vld [tilespmem:$0x1550]  }
0xf5: {  	v0 =	vadd.f32 v22, v0  }
0xf6: {  	v25 =	vld [tilespmem:$0x15D0]  }
0xf7: {  	v0 =	vadd.f32 v23, v0  }
0xf8: {  	v26 =	vld [tilespmem:$0x1650]  }
0xf9: {  	v0 =	vadd.f32 v24, v0  }
0xfa: {  	v27 =	vld [tilespmem:$0x16D0]  }
0xfb: {  	v0 =	vadd.f32 v25, v0  }
0xfc: {  	v28 =	vld [tilespmem:$0x1750]  }
0xfd: {  	v0 =	vadd.f32 v26, v0  }
0xfe: {  	v29 =	vld [tilespmem:$0x17D0]  }
0xff: {  	v0 =	vadd.f32 v27, v0  }
0x100: {  	v30 =	vld [tilespmem:$0x1850]  }
0x101: {  	v0 =	vadd.f32 v28, v0  }
0x102: {  	v31 =	vld [tilespmem:$0x18D0]  }
0x103: {  	v0 =	vadd.f32 v29, v0  }
0x104: {  	v32 =	vld [tilespmem:$0x1950]  }
0x105: {  	v0 =	vadd.f32 v30, v0  }
0x106: {  	v33 =	vld [tilespmem:$0x19D0]  }
0x107: {  	v0 =	vadd.f32 v31, v0;
	_ =	sdelay $0x1  }
0x108: {  	v0 =	vadd.f32 v32, v0;
	_ =	sdelay $0x1  }
0x109: {  	v0 =	vadd.f32 v33, v0;
	_ =	sdelay $0x1  }
0x10a: {  	v0 =	vmul.f32 $5.000000070e-02, v0;
	_ =	sdelay $0x1  }
0x10b: {  	[tilespmem:s13+$0xFFFFFF50] =	vst v0  }
0x10c: {  	v0 =	vld [tilespmem:$0x1060]  }
0x10d: {  	v34 =	vld [tilespmem:$0x10E0];
	_ =	sdelay $0x1  }
0x10e: {  	v35 =	vld [tilespmem:$0x1160];
	_ =	sdelay $0x1  }
0x10f: {  	v36 =	vld [tilespmem:$0x11E0]  }
0x110: {  	v0 =	vadd.f32 v34, v0  }
0x111: {  	v37 =	vld [tilespmem:$0x1260]  }
0x112: {  	v0 =	vadd.f32 v35, v0  }
0x113: {  	v38 =	vld [tilespmem:$0x12E0]  }
0x114: {  	v0 =	vadd.f32 v36, v0  }
0x115: {  	v39 =	vld [tilespmem:$0x1360]  }
0x116: {  	v0 =	vadd.f32 v37, v0  }
0x117: {  	v40 =	vld [tilespmem:$0x13E0]  }
0x118: {  	v0 =	vadd.f32 v38, v0  }
0x119: {  	v41 =	vld [tilespmem:$0x1460]  }
0x11a: {  	v0 =	vadd.f32 v39, v0  }
0x11b: {  	v42 =	vld [tilespmem:$0x14E0]  }
0x11c: {  	v0 =	vadd.f32 v40, v0  }
0x11d: {  	v43 =	vld [tilespmem:$0x1560]  }
0x11e: {  	v0 =	vadd.f32 v41, v0  }
0x11f: {  	v44 =	vld [tilespmem:$0x15E0]  }
0x120: {  	v0 =	vadd.f32 v42, v0  }
0x121: {  	v45 =	vld [tilespmem:$0x1660]  }
0x122: {  	v0 =	vadd.f32 v43, v0  }
0x123: {  	v46 =	vld [tilespmem:$0x16E0]  }
0x124: {  	v0 =	vadd.f32 v44, v0  }
0x125: {  	v47 =	vld [tilespmem:$0x1760]  }
0x126: {  	v0 =	vadd.f32 v45, v0  }
0x127: {  	v48 =	vld [tilespmem:$0x17E0]  }
0x128: {  	v0 =	vadd.f32 v46, v0  }
0x129: {  	v49 =	vld [tilespmem:$0x1860]  }
0x12a: {  	v0 =	vadd.f32 v47, v0  }
0x12b: {  	v50 =	vld [tilespmem:$0x18E0]  }
0x12c: {  	v0 =	vadd.f32 v48, v0  }
0x12d: {  	v51 =	vld [tilespmem:$0x1960]  }
0x12e: {  	v0 =	vadd.f32 v49, v0  }
0x12f: {  	v52 =	vld [tilespmem:$0x19E0]  }
0x130: {  	v0 =	vadd.f32 v50, v0;
	_ =	sdelay $0x1  }
0x131: {  	v0 =	vadd.f32 v51, v0;
	_ =	sdelay $0x1  }
0x132: {  	v0 =	vadd.f32 v52, v0;
	_ =	sdelay $0x1  }
0x133: {  	v0 =	vmul.f32 $5.000000070e-02, v0;
	_ =	sdelay $0x1  }
0x134: {  	[tilespmem:s13+$0xFFFFFF60] =	vst v0  }
0x135: {  	v0 =	vld [tilespmem:$0x1070]  }
0x136: {  	v53 =	vld [tilespmem:$0x10F0];
	_ =	sdelay $0x1  }
0x137: {  	v54 =	vld [tilespmem:$0x1170];
	_ =	sdelay $0x1  }
0x138: {  	v55 =	vld [tilespmem:$0x11F0]  }
0x139: {  	v0 =	vadd.f32 v53, v0  }
0x13a: {  	v56 =	vld [tilespmem:$0x1270]  }
0x13b: {  	v0 =	vadd.f32 v54, v0  }
0x13c: {  	v57 =	vld [tilespmem:$0x12F0]  }
0x13d: {  	v0 =	vadd.f32 v55, v0  }
0x13e: {  	v58 =	vld [tilespmem:$0x1370]  }
0x13f: {  	v0 =	vadd.f32 v56, v0  }
0x140: {  	v59 =	vld [tilespmem:$0x13F0]  }
0x141: {  	v0 =	vadd.f32 v57, v0  }
0x142: {  	v60 =	vld [tilespmem:$0x1470]  }
0x143: {  	v0 =	vadd.f32 v58, v0  }
0x144: {  	v61 =	vld [tilespmem:$0x14F0]  }
0x145: {  	v0 =	vadd.f32 v59, v0  }
0x146: {  	v62 =	vld [tilespmem:$0x1570]  }
0x147: {  	v0 =	vadd.f32 v60, v0  }
0x148: {  	v63 =	vld [tilespmem:$0x15F0]  }
0x149: {  	v0 =	vadd.f32 v61, v0  }
0x14a: {  	v6 =	vld [tilespmem:$0x1670]  }
0x14b: {  	v0 =	vadd.f32 v62, v0  }
0x14c: {  	v7 =	vld [tilespmem:$0x16F0]  }
0x14d: {  	v0 =	vadd.f32 v63, v0  }
0x14e: {  	v8 =	vld [tilespmem:$0x1770]  }
0x14f: {  	v0 =	vadd.f32 v6, v0  }
0x150: {  	v9 =	vld [tilespmem:$0x17F0]  }
0x151: {  	v0 =	vadd.f32 v7, v0  }
0x152: {  	v10 =	vld [tilespmem:$0x1870]  }
0x153: {  	v0 =	vadd.f32 v8, v0  }
0x154: {  	v11 =	vld [tilespmem:$0x18F0]  }
0x155: {  	v0 =	vadd.f32 v9, v0  }
0x156: {  	v12 =	vld [tilespmem:$0x1970]  }
0x157: {  	v0 =	vadd.f32 v10, v0  }
0x158: {  	v13 =	vld [tilespmem:$0x19F0]  }
0x159: {  	v0 =	vadd.f32 v11, v0;
	_ =	sdelay $0x1  }
0x15a: {  	v0 =	vadd.f32 v12, v0;
	_ =	sdelay $0x1  }
0x15b: {  	v0 =	vadd.f32 v13, v0;
	_ =	sdelay $0x1  }
0x15c: {  	v0 =	vmul.f32 $5.000000070e-02, v0;
	_ =	sdelay $0x1  }
0x15d: {  	[tilespmem:s13+$0xFFFFFF70] =	vst v0  }
0x15e: {  	v0 =	vld [tilespmem:$0x1A00]  }
0x15f: {  	v14 =	vld [tilespmem:$0x1A80];
	_ =	sdelay $0x1  }
0x160: {  	v15 =	vld [tilespmem:$0x1B00];
	_ =	sdelay $0x1  }
0x161: {  	v16 =	vld [tilespmem:$0x1B80]  }
0x162: {  	v0 =	vadd.f32 v14, v0  }
0x163: {  	v17 =	vld [tilespmem:$0x1C00]  }
0x164: {  	v0 =	vadd.f32 v15, v0  }
0x165: {  	v18 =	vld [tilespmem:$0x1C80]  }
0x166: {  	v0 =	vadd.f32 v16, v0  }
0x167: {  	v19 =	vld [tilespmem:$0x1D00]  }
0x168: {  	v0 =	vadd.f32 v17, v0  }
0x169: {  	v20 =	vld [tilespmem:$0x1D80]  }
0x16a: {  	v0 =	vadd.f32 v18, v0  }
0x16b: {  	v21 =	vld [tilespmem:$0x1E00]  }
0x16c: {  	v0 =	vadd.f32 v19, v0  }
0x16d: {  	v22 =	vld [tilespmem:$0x1E80]  }
0x16e: {  	v0 =	vadd.f32 v20, v0  }
0x16f: {  	v23 =	vld [tilespmem:$0x1F00]  }
0x170: {  	v0 =	vadd.f32 v21, v0  }
0x171: {  	v24 =	vld [tilespmem:$0x1F80]  }
0x172: {  	v0 =	vadd.f32 v22, v0  }
0x173: {  	v25 =	vld [tilespmem:$0x2000]  }
0x174: {  	v0 =	vadd.f32 v23, v0  }
0x175: {  	v26 =	vld [tilespmem:$0x2080]  }
0x176: {  	v0 =	vadd.f32 v24, v0  }
0x177: {  	v27 =	vld [tilespmem:$0x2100]  }
0x178: {  	v0 =	vadd.f32 v25, v0  }
0x179: {  	v28 =	vld [tilespmem:$0x2180]  }
0x17a: {  	v0 =	vadd.f32 v26, v0  }
0x17b: {  	v29 =	vld [tilespmem:$0x2200]  }
0x17c: {  	v0 =	vadd.f32 v27, v0  }
0x17d: {  	v30 =	vld [tilespmem:$0x2280]  }
0x17e: {  	v0 =	vadd.f32 v28, v0  }
0x17f: {  	v31 =	vld [tilespmem:$0x2300]  }
0x180: {  	v0 =	vadd.f32 v29, v0  }
0x181: {  	v32 =	vld [tilespmem:$0x2380]  }
0x182: {  	v0 =	vadd.f32 v30, v0;
	_ =	sdelay $0x1  }
0x183: {  	v0 =	vadd.f32 v31, v0;
	_ =	sdelay $0x1  }
0x184: {  	v0 =	vadd.f32 v32, v0;
	_ =	sdelay $0x1  }
0x185: {  	v0 =	vmul.f32 $5.000000070e-02, v0;
	_ =	sdelay $0x1  }
0x186: {  	[tilespmem:s13+$0xFFFFFF80] =	vst v0  }
0x187: {  	v0 =	vld [tilespmem:$0x1A10]  }
0x188: {  	v33 =	vld [tilespmem:$0x1A90];
	_ =	sdelay $0x1  }
0x189: {  	v34 =	vld [tilespmem:$0x1B10];
	_ =	sdelay $0x1  }
0x18a: {  	v35 =	vld [tilespmem:$0x1B90]  }
0x18b: {  	v0 =	vadd.f32 v33, v0  }
0x18c: {  	v36 =	vld [tilespmem:$0x1C10]  }
0x18d: {  	v0 =	vadd.f32 v34, v0  }
0x18e: {  	v37 =	vld [tilespmem:$0x1C90]  }
0x18f: {  	v0 =	vadd.f32 v35, v0  }
0x190: {  	v38 =	vld [tilespmem:$0x1D10]  }
0x191: {  	v0 =	vadd.f32 v36, v0  }
0x192: {  	v39 =	vld [tilespmem:$0x1D90]  }
0x193: {  	v0 =	vadd.f32 v37, v0  }
0x194: {  	v40 =	vld [tilespmem:$0x1E10]  }
0x195: {  	v0 =	vadd.f32 v38, v0  }
0x196: {  	v41 =	vld [tilespmem:$0x1E90]  }
0x197: {  	v0 =	vadd.f32 v39, v0  }
0x198: {  	v42 =	vld [tilespmem:$0x1F10]  }
0x199: {  	v0 =	vadd.f32 v40, v0  }
0x19a: {  	v43 =	vld [tilespmem:$0x1F90]  }
0x19b: {  	v0 =	vadd.f32 v41, v0  }
0x19c: {  	v44 =	vld [tilespmem:$0x2010]  }
0x19d: {  	v0 =	vadd.f32 v42, v0  }
0x19e: {  	v45 =	vld [tilespmem:$0x2090]  }
0x19f: {  	v0 =	vadd.f32 v43, v0  }
0x1a0: {  	v46 =	vld [tilespmem:$0x2110]  }
0x1a1: {  	v0 =	vadd.f32 v44, v0  }
0x1a2: {  	v47 =	vld [tilespmem:$0x2190]  }
0x1a3: {  	v0 =	vadd.f32 v45, v0  }
0x1a4: {  	v48 =	vld [tilespmem:$0x2210]  }
0x1a5: {  	v0 =	vadd.f32 v46, v0  }
0x1a6: {  	v49 =	vld [tilespmem:$0x2290]  }
0x1a7: {  	v0 =	vadd.f32 v47, v0  }
0x1a8: {  	v50 =	vld [tilespmem:$0x2310]  }
0x1a9: {  	v0 =	vadd.f32 v48, v0  }
0x1aa: {  	v51 =	vld [tilespmem:$0x2390]  }
0x1ab: {  	v0 =	vadd.f32 v49, v0;
	_ =	sdelay $0x1  }
0x1ac: {  	v0 =	vadd.f32 v50, v0;
	_ =	sdelay $0x1  }
0x1ad: {  	v0 =	vadd.f32 v51, v0;
	_ =	sdelay $0x1  }
0x1ae: {  	v0 =	vmul.f32 $5.000000070e-02, v0;
	_ =	sdelay $0x1  }
0x1af: {  	[tilespmem:s13+$0xFFFFFF90] =	vst v0  }
0x1b0: {  	v0 =	vld [tilespmem:$0x1A20]  }
0x1b1: {  	v52 =	vld [tilespmem:$0x1AA0];
	_ =	sdelay $0x1  }
0x1b2: {  	v53 =	vld [tilespmem:$0x1B20];
	_ =	sdelay $0x1  }
0x1b3: {  	v54 =	vld [tilespmem:$0x1BA0]  }
0x1b4: {  	v0 =	vadd.f32 v52, v0  }
0x1b5: {  	v55 =	vld [tilespmem:$0x1C20]  }
0x1b6: {  	v0 =	vadd.f32 v53, v0  }
0x1b7: {  	v56 =	vld [tilespmem:$0x1CA0]  }
0x1b8: {  	v0 =	vadd.f32 v54, v0  }
0x1b9: {  	v57 =	vld [tilespmem:$0x1D20]  }
0x1ba: {  	v0 =	vadd.f32 v55, v0  }
0x1bb: {  	v58 =	vld [tilespmem:$0x1DA0]  }
0x1bc: {  	v0 =	vadd.f32 v56, v0  }
0x1bd: {  	v59 =	vld [tilespmem:$0x1E20]  }
0x1be: {  	v0 =	vadd.f32 v57, v0  }
0x1bf: {  	v60 =	vld [tilespmem:$0x1EA0]  }
0x1c0: {  	v0 =	vadd.f32 v58, v0  }
0x1c1: {  	v61 =	vld [tilespmem:$0x1F20]  }
0x1c2: {  	v0 =	vadd.f32 v59, v0  }
0x1c3: {  	v62 =	vld [tilespmem:$0x1FA0]  }
0x1c4: {  	v0 =	vadd.f32 v60, v0  }
0x1c5: {  	v63 =	vld [tilespmem:$0x2020]  }
0x1c6: {  	v0 =	vadd.f32 v61, v0  }
0x1c7: {  	v6 =	vld [tilespmem:$0x20A0]  }
0x1c8: {  	v0 =	vadd.f32 v62, v0  }
0x1c9: {  	v7 =	vld [tilespmem:$0x2120]  }
0x1ca: {  	v0 =	vadd.f32 v63, v0  }
0x1cb: {  	v8 =	vld [tilespmem:$0x21A0]  }
0x1cc: {  	v0 =	vadd.f32 v6, v0  }
0x1cd: {  	v9 =	vld [tilespmem:$0x2220]  }
0x1ce: {  	v0 =	vadd.f32 v7, v0  }
0x1cf: {  	v10 =	vld [tilespmem:$0x22A0]  }
0x1d0: {  	v0 =	vadd.f32 v8, v0  }
0x1d1: {  	v11 =	vld [tilespmem:$0x2320]  }
0x1d2: {  	v0 =	vadd.f32 v9, v0  }
0x1d3: {  	v12 =	vld [tilespmem:$0x23A0]  }
0x1d4: {  	v0 =	vadd.f32 v10, v0;
	_ =	sdelay $0x1  }
0x1d5: {  	v0 =	vadd.f32 v11, v0;
	_ =	sdelay $0x1  }
0x1d6: {  	v0 =	vadd.f32 v12, v0;
	_ =	sdelay $0x1  }
0x1d7: {  	v0 =	vmul.f32 $5.000000070e-02, v0;
	_ =	sdelay $0x1  }
0x1d8: {  	[tilespmem:s13+$0xFFFFFFA0] =	vst v0  }
0x1d9: {  	v0 =	vld [tilespmem:$0x1A30]  }
0x1da: {  	v13 =	vld [tilespmem:$0x1AB0];
	_ =	sdelay $0x1  }
0x1db: {  	v14 =	vld [tilespmem:$0x1B30];
	_ =	sdelay $0x1  }
0x1dc: {  	v15 =	vld [tilespmem:$0x1BB0]  }
0x1dd: {  	v0 =	vadd.f32 v13, v0  }
0x1de: {  	v16 =	vld [tilespmem:$0x1C30]  }
0x1df: {  	v0 =	vadd.f32 v14, v0  }
0x1e0: {  	v17 =	vld [tilespmem:$0x1CB0]  }
0x1e1: {  	v0 =	vadd.f32 v15, v0  }
0x1e2: {  	v18 =	vld [tilespmem:$0x1D30]  }
0x1e3: {  	v0 =	vadd.f32 v16, v0  }
0x1e4: {  	v19 =	vld [tilespmem:$0x1DB0]  }
0x1e5: {  	v0 =	vadd.f32 v17, v0  }
0x1e6: {  	v20 =	vld [tilespmem:$0x1E30]  }
0x1e7: {  	v0 =	vadd.f32 v18, v0  }
0x1e8: {  	v21 =	vld [tilespmem:$0x1EB0]  }
0x1e9: {  	v0 =	vadd.f32 v19, v0  }
0x1ea: {  	v22 =	vld [tilespmem:$0x1F30]  }
0x1eb: {  	v0 =	vadd.f32 v20, v0  }
0x1ec: {  	v23 =	vld [tilespmem:$0x1FB0]  }
0x1ed: {  	v0 =	vadd.f32 v21, v0  }
0x1ee: {  	v24 =	vld [tilespmem:$0x2030]  }
0x1ef: {  	v0 =	vadd.f32 v22, v0  }
0x1f0: {  	v25 =	vld [tilespmem:$0x20B0]  }
0x1f1: {  	v0 =	vadd.f32 v23, v0  }
0x1f2: {  	v26 =	vld [tilespmem:$0x2130]  }
0x1f3: {  	v0 =	vadd.f32 v24, v0  }
0x1f4: {  	v27 =	vld [tilespmem:$0x21B0]  }
0x1f5: {  	v0 =	vadd.f32 v25, v0  }
0x1f6: {  	v28 =	vld [tilespmem:$0x2230]  }
0x1f7: {  	v0 =	vadd.f32 v26, v0  }
0x1f8: {  	v29 =	vld [tilespmem:$0x22B0]  }
0x1f9: {  	v0 =	vadd.f32 v27, v0  }
0x1fa: {  	v30 =	vld [tilespmem:$0x2330]  }
0x1fb: {  	v0 =	vadd.f32 v28, v0  }
0x1fc: {  	v31 =	vld [tilespmem:$0x23B0]  }
0x1fd: {  	v0 =	vadd.f32 v29, v0;
	_ =	sdelay $0x1  }
0x1fe: {  	v0 =	vadd.f32 v30, v0;
	_ =	sdelay $0x1  }
0x1ff: {  	v0 =	vadd.f32 v31, v0;
	_ =	sdelay $0x1  }
0x200: {  	v0 =	vmul.f32 $5.000000070e-02, v0;
	_ =	sdelay $0x1  }
0x201: {  	[tilespmem:s13+$0xFFFFFFB0] =	vst v0  }
0x202: {  	v0 =	vld [tilespmem:$0x1A40]  }
0x203: {  	v32 =	vld [tilespmem:$0x1AC0];
	_ =	sdelay $0x1  }
0x204: {  	v33 =	vld [tilespmem:$0x1B40];
	_ =	sdelay $0x1  }
0x205: {  	v34 =	vld [tilespmem:$0x1BC0]  }
0x206: {  	v0 =	vadd.f32 v32, v0  }
0x207: {  	v35 =	vld [tilespmem:$0x1C40]  }
0x208: {  	v0 =	vadd.f32 v33, v0  }
0x209: {  	v36 =	vld [tilespmem:$0x1CC0]  }
0x20a: {  	v0 =	vadd.f32 v34, v0  }
0x20b: {  	v37 =	vld [tilespmem:$0x1D40]  }
0x20c: {  	v0 =	vadd.f32 v35, v0  }
0x20d: {  	v38 =	vld [tilespmem:$0x1DC0]  }
0x20e: {  	v0 =	vadd.f32 v36, v0  }
0x20f: {  	v39 =	vld [tilespmem:$0x1E40]  }
0x210: {  	v0 =	vadd.f32 v37, v0  }
0x211: {  	v40 =	vld [tilespmem:$0x1EC0]  }
0x212: {  	v0 =	vadd.f32 v38, v0  }
0x213: {  	v41 =	vld [tilespmem:$0x1F40]  }
0x214: {  	v0 =	vadd.f32 v39, v0  }
0x215: {  	v42 =	vld [tilespmem:$0x1FC0]  }
0x216: {  	v0 =	vadd.f32 v40, v0  }
0x217: {  	v43 =	vld [tilespmem:$0x2040]  }
0x218: {  	v0 =	vadd.f32 v41, v0  }
0x219: {  	v44 =	vld [tilespmem:$0x20C0]  }
0x21a: {  	v0 =	vadd.f32 v42, v0  }
0x21b: {  	v45 =	vld [tilespmem:$0x2140]  }
0x21c: {  	v0 =	vadd.f32 v43, v0  }
0x21d: {  	v46 =	vld [tilespmem:$0x21C0]  }
0x21e: {  	v0 =	vadd.f32 v44, v0  }
0x21f: {  	v47 =	vld [tilespmem:$0x2240]  }
0x220: {  	v0 =	vadd.f32 v45, v0  }
0x221: {  	v48 =	vld [tilespmem:$0x22C0]  }
0x222: {  	v0 =	vadd.f32 v46, v0  }
0x223: {  	v49 =	vld [tilespmem:$0x2340]  }
0x224: {  	v0 =	vadd.f32 v47, v0  }
0x225: {  	v50 =	vld [tilespmem:$0x23C0]  }
0x226: {  	v0 =	vadd.f32 v48, v0;
	_ =	sdelay $0x1  }
0x227: {  	v0 =	vadd.f32 v49, v0;
	_ =	sdelay $0x1  }
0x228: {  	v0 =	vadd.f32 v50, v0;
	_ =	sdelay $0x1  }
0x229: {  	v0 =	vmul.f32 $5.000000070e-02, v0;
	_ =	sdelay $0x1  }
0x22a: {  	[tilespmem:s13+$0xFFFFFFC0] =	vst v0  }
0x22b: {  	v0 =	vld [tilespmem:$0x1A50]  }
0x22c: {  	v51 =	vld [tilespmem:$0x1AD0];
	_ =	sdelay $0x1  }
0x22d: {  	v52 =	vld [tilespmem:$0x1B50];
	_ =	sdelay $0x1  }
0x22e: {  	v53 =	vld [tilespmem:$0x1BD0]  }
0x22f: {  	v0 =	vadd.f32 v51, v0  }
0x230: {  	v54 =	vld [tilespmem:$0x1C50]  }
0x231: {  	v0 =	vadd.f32 v52, v0  }
0x232: {  	v55 =	vld [tilespmem:$0x1CD0]  }
0x233: {  	v0 =	vadd.f32 v53, v0  }
0x234: {  	v56 =	vld [tilespmem:$0x1D50]  }
0x235: {  	v0 =	vadd.f32 v54, v0  }
0x236: {  	v57 =	vld [tilespmem:$0x1DD0]  }
0x237: {  	v0 =	vadd.f32 v55, v0  }
0x238: {  	v58 =	vld [tilespmem:$0x1E50]  }
0x239: {  	v0 =	vadd.f32 v56, v0  }
0x23a: {  	v59 =	vld [tilespmem:$0x1ED0]  }
0x23b: {  	v0 =	vadd.f32 v57, v0  }
0x23c: {  	v60 =	vld [tilespmem:$0x1F50]  }
0x23d: {  	v0 =	vadd.f32 v58, v0  }
0x23e: {  	v61 =	vld [tilespmem:$0x1FD0]  }
0x23f: {  	v0 =	vadd.f32 v59, v0  }
0x240: {  	v62 =	vld [tilespmem:$0x2050]  }
0x241: {  	v0 =	vadd.f32 v60, v0  }
0x242: {  	v63 =	vld [tilespmem:$0x20D0]  }
0x243: {  	v0 =	vadd.f32 v61, v0  }
0x244: {  	v6 =	vld [tilespmem:$0x2150]  }
0x245: {  	v0 =	vadd.f32 v62, v0  }
0x246: {  	v7 =	vld [tilespmem:$0x21D0]  }
0x247: {  	v0 =	vadd.f32 v63, v0  }
0x248: {  	v8 =	vld [tilespmem:$0x2250]  }
0x249: {  	v0 =	vadd.f32 v6, v0  }
0x24a: {  	v9 =	vld [tilespmem:$0x22D0]  }
0x24b: {  	v0 =	vadd.f32 v7, v0  }
0x24c: {  	v10 =	vld [tilespmem:$0x2350]  }
0x24d: {  	v0 =	vadd.f32 v8, v0  }
0x24e: {  	v11 =	vld [tilespmem:$0x23D0]  }
0x24f: {  	v0 =	vadd.f32 v9, v0;
	_ =	sdelay $0x1  }
0x250: {  	v0 =	vadd.f32 v10, v0;
	_ =	sdelay $0x1  }
0x251: {  	v0 =	vadd.f32 v11, v0;
	_ =	sdelay $0x1  }
0x252: {  	v0 =	vmul.f32 $5.000000070e-02, v0;
	_ =	sdelay $0x1  }
0x253: {  	[tilespmem:s13+$0xFFFFFFD0] =	vst v0  }
0x254: {  	v0 =	vld [tilespmem:$0x1A60]  }
0x255: {  	v12 =	vld [tilespmem:$0x1AE0];
	_ =	sdelay $0x1  }
0x256: {  	v13 =	vld [tilespmem:$0x1B60];
	_ =	sdelay $0x1  }
0x257: {  	v14 =	vld [tilespmem:$0x1BE0]  }
0x258: {  	v0 =	vadd.f32 v12, v0  }
0x259: {  	v15 =	vld [tilespmem:$0x1C60]  }
0x25a: {  	v0 =	vadd.f32 v13, v0  }
0x25b: {  	v16 =	vld [tilespmem:$0x1CE0]  }
0x25c: {  	v0 =	vadd.f32 v14, v0  }
0x25d: {  	v17 =	vld [tilespmem:$0x1D60]  }
0x25e: {  	v0 =	vadd.f32 v15, v0  }
0x25f: {  	v18 =	vld [tilespmem:$0x1DE0]  }
0x260: {  	v0 =	vadd.f32 v16, v0  }
0x261: {  	v19 =	vld [tilespmem:$0x1E60]  }
0x262: {  	v0 =	vadd.f32 v17, v0  }
0x263: {  	v20 =	vld [tilespmem:$0x1EE0]  }
0x264: {  	v0 =	vadd.f32 v18, v0  }
0x265: {  	v21 =	vld [tilespmem:$0x1F60]  }
0x266: {  	v0 =	vadd.f32 v19, v0  }
0x267: {  	v22 =	vld [tilespmem:$0x1FE0]  }
0x268: {  	v0 =	vadd.f32 v20, v0  }
0x269: {  	v23 =	vld [tilespmem:$0x2060]  }
0x26a: {  	v0 =	vadd.f32 v21, v0  }
0x26b: {  	v24 =	vld [tilespmem:$0x20E0]  }
0x26c: {  	v0 =	vadd.f32 v22, v0  }
0x26d: {  	v25 =	vld [tilespmem:$0x2160]  }
0x26e: {  	v0 =	vadd.f32 v23, v0  }
0x26f: {  	v26 =	vld [tilespmem:$0x21E0]  }
0x270: {  	v0 =	vadd.f32 v24, v0  }
0x271: {  	v27 =	vld [tilespmem:$0x2260]  }
0x272: {  	v0 =	vadd.f32 v25, v0  }
0x273: {  	v28 =	vld [tilespmem:$0x22E0]  }
0x274: {  	v0 =	vadd.f32 v26, v0  }
0x275: {  	v29 =	vld [tilespmem:$0x2360]  }
0x276: {  	v0 =	vadd.f32 v27, v0  }
0x277: {  	v30 =	vld [tilespmem:$0x23E0]  }
0x278: {  	v0 =	vadd.f32 v28, v0;
	_ =	sdelay $0x1  }
0x279: {  	v0 =	vadd.f32 v29, v0;
	_ =	sdelay $0x1  }
0x27a: {  	v0 =	vadd.f32 v30, v0;
	_ =	sdelay $0x1  }
0x27b: {  	v0 =	vmul.f32 $5.000000070e-02, v0;
	_ =	sdelay $0x1  }
0x27c: {  	[tilespmem:s13+$0xFFFFFFE0] =	vst v0  }
0x27d: {  	v0 =	vld [tilespmem:$0x1A70]  }
0x27e: {  	v31 =	vld [tilespmem:$0x1AF0];
	_ =	sdelay $0x1  }
0x27f: {  	v32 =	vld [tilespmem:$0x1B70];
	_ =	sdelay $0x1  }
0x280: {  	v33 =	vld [tilespmem:$0x1BF0]  }
0x281: {  	v0 =	vadd.f32 v31, v0  }
0x282: {  	v34 =	vld [tilespmem:$0x1C70]  }
0x283: {  	v0 =	vadd.f32 v32, v0  }
0x284: {  	v35 =	vld [tilespmem:$0x1CF0]  }
0x285: {  	v0 =	vadd.f32 v33, v0  }
0x286: {  	v36 =	vld [tilespmem:$0x1D70]  }
0x287: {  	v0 =	vadd.f32 v34, v0  }
0x288: {  	v37 =	vld [tilespmem:$0x1DF0]  }
0x289: {  	v0 =	vadd.f32 v35, v0  }
0x28a: {  	v38 =	vld [tilespmem:$0x1E70]  }
0x28b: {  	v0 =	vadd.f32 v36, v0  }
0x28c: {  	v39 =	vld [tilespmem:$0x1EF0]  }
0x28d: {  	v0 =	vadd.f32 v37, v0  }
0x28e: {  	v40 =	vld [tilespmem:$0x1F70]  }
0x28f: {  	v0 =	vadd.f32 v38, v0  }
0x290: {  	v41 =	vld [tilespmem:$0x1FF0]  }
0x291: {  	v0 =	vadd.f32 v39, v0  }
0x292: {  	v42 =	vld [tilespmem:$0x2070]  }
0x293: {  	v0 =	vadd.f32 v40, v0  }
0x294: {  	v43 =	vld [tilespmem:$0x20F0]  }
0x295: {  	v0 =	vadd.f32 v41, v0  }
0x296: {  	v44 =	vld [tilespmem:$0x2170]  }
0x297: {  	v0 =	vadd.f32 v42, v0  }
0x298: {  	v45 =	vld [tilespmem:$0x21F0]  }
0x299: {  	v0 =	vadd.f32 v43, v0  }
0x29a: {  	v46 =	vld [tilespmem:$0x2270]  }
0x29b: {  	v0 =	vadd.f32 v44, v0  }
0x29c: {  	v47 =	vld [tilespmem:$0x22F0]  }
0x29d: {  	v0 =	vadd.f32 v45, v0  }
0x29e: {  	v48 =	vld [tilespmem:$0x2370]  }
0x29f: {  	v0 =	vadd.f32 v46, v0  }
0x2a0: {  	v49 =	vld [tilespmem:$0x23F0]  }
0x2a1: {  	v0 =	vadd.f32 v47, v0;
	_ =	sdelay $0x1  }
0x2a2: {  	v0 =	vadd.f32 v48, v0;
	_ =	sdelay $0x1  }
0x2a3: {  	v0 =	vadd.f32 v49, v0;
	_ =	sdelay $0x1  }
0x2a4: {  	v0 =	vmul.f32 $5.000000070e-02, v0;
	_ =	sdelay $0x1  }
0x2a5: {  	[tilespmem:s13+$0xFFFFFFF0] =	vst v0  }
0x2a6: {  	v0 =	vld [tilespmem:$0x2400]  }
0x2a7: {  	v50 =	vld [tilespmem:$0x2480];
	_ =	sdelay $0x1  }
0x2a8: {  	v51 =	vld [tilespmem:$0x2500];
	_ =	sdelay $0x1  }
0x2a9: {  	v52 =	vld [tilespmem:$0x2580]  }
0x2aa: {  	v0 =	vadd.f32 v50, v0  }
0x2ab: {  	v53 =	vld [tilespmem:$0x2600]  }
0x2ac: {  	v0 =	vadd.f32 v51, v0  }
0x2ad: {  	v54 =	vld [tilespmem:$0x2680]  }
0x2ae: {  	v0 =	vadd.f32 v52, v0  }
0x2af: {  	v55 =	vld [tilespmem:$0x2700]  }
0x2b0: {  	v0 =	vadd.f32 v53, v0  }
0x2b1: {  	v56 =	vld [tilespmem:$0x2780]  }
0x2b2: {  	v0 =	vadd.f32 v54, v0  }
0x2b3: {  	v57 =	vld [tilespmem:$0x2800]  }
0x2b4: {  	v0 =	vadd.f32 v55, v0  }
0x2b5: {  	v58 =	vld [tilespmem:$0x2880]  }
0x2b6: {  	v0 =	vadd.f32 v56, v0  }
0x2b7: {  	v59 =	vld [tilespmem:$0x2900]  }
0x2b8: {  	v0 =	vadd.f32 v57, v0  }
0x2b9: {  	v60 =	vld [tilespmem:$0x2980]  }
0x2ba: {  	v0 =	vadd.f32 v58, v0  }
0x2bb: {  	v61 =	vld [tilespmem:$0x2A00]  }
0x2bc: {  	v0 =	vadd.f32 v59, v0  }
0x2bd: {  	v62 =	vld [tilespmem:$0x2A80]  }
0x2be: {  	v0 =	vadd.f32 v60, v0  }
0x2bf: {  	v63 =	vld [tilespmem:$0x2B00]  }
0x2c0: {  	v0 =	vadd.f32 v61, v0  }
0x2c1: {  	v6 =	vld [tilespmem:$0x2B80]  }
0x2c2: {  	v0 =	vadd.f32 v62, v0  }
0x2c3: {  	v7 =	vld [tilespmem:$0x2C00]  }
0x2c4: {  	v0 =	vadd.f32 v63, v0  }
0x2c5: {  	v8 =	vld [tilespmem:$0x2C80]  }
0x2c6: {  	v0 =	vadd.f32 v6, v0  }
0x2c7: {  	v9 =	vld [tilespmem:$0x2D00]  }
0x2c8: {  	v0 =	vadd.f32 v7, v0  }
0x2c9: {  	v10 =	vld [tilespmem:$0x2D80]  }
0x2ca: {  	v0 =	vadd.f32 v8, v0;
	_ =	sdelay $0x1  }
0x2cb: {  	v0 =	vadd.f32 v9, v0;
	_ =	sdelay $0x1  }
0x2cc: {  	v0 =	vadd.f32 v10, v0;
	_ =	sdelay $0x1  }
0x2cd: {  	v0 =	vmul.f32 $5.000000070e-02, v0;
	_ =	sdelay $0x1  }
0x2ce: {  	[tilespmem:s13+$0x0] =	vst v0  }
0x2cf: {  	v0 =	vld [tilespmem:$0x2410]  }
0x2d0: {  	v11 =	vld [tilespmem:$0x2490];
	_ =	sdelay $0x1  }
0x2d1: {  	v12 =	vld [tilespmem:$0x2510];
	_ =	sdelay $0x1  }
0x2d2: {  	v13 =	vld [tilespmem:$0x2590]  }
0x2d3: {  	v0 =	vadd.f32 v11, v0  }
0x2d4: {  	v14 =	vld [tilespmem:$0x2610]  }
0x2d5: {  	v0 =	vadd.f32 v12, v0  }
0x2d6: {  	v15 =	vld [tilespmem:$0x2690]  }
0x2d7: {  	v0 =	vadd.f32 v13, v0  }
0x2d8: {  	v16 =	vld [tilespmem:$0x2710]  }
0x2d9: {  	v0 =	vadd.f32 v14, v0  }
0x2da: {  	v17 =	vld [tilespmem:$0x2790]  }
0x2db: {  	v0 =	vadd.f32 v15, v0  }
0x2dc: {  	v18 =	vld [tilespmem:$0x2810]  }
0x2dd: {  	v0 =	vadd.f32 v16, v0  }
0x2de: {  	v19 =	vld [tilespmem:$0x2890]  }
0x2df: {  	v0 =	vadd.f32 v17, v0  }
0x2e0: {  	v20 =	vld [tilespmem:$0x2910]  }
0x2e1: {  	v0 =	vadd.f32 v18, v0  }
0x2e2: {  	v21 =	vld [tilespmem:$0x2990]  }
0x2e3: {  	v0 =	vadd.f32 v19, v0  }
0x2e4: {  	v22 =	vld [tilespmem:$0x2A10]  }
0x2e5: {  	v0 =	vadd.f32 v20, v0  }
0x2e6: {  	v23 =	vld [tilespmem:$0x2A90]  }
0x2e7: {  	v0 =	vadd.f32 v21, v0  }
0x2e8: {  	v24 =	vld [tilespmem:$0x2B10]  }
0x2e9: {  	v0 =	vadd.f32 v22, v0  }
0x2ea: {  	v25 =	vld [tilespmem:$0x2B90]  }
0x2eb: {  	v0 =	vadd.f32 v23, v0  }
0x2ec: {  	v26 =	vld [tilespmem:$0x2C10]  }
0x2ed: {  	v0 =	vadd.f32 v24, v0  }
0x2ee: {  	v27 =	vld [tilespmem:$0x2C90]  }
0x2ef: {  	v0 =	vadd.f32 v25, v0  }
0x2f0: {  	v28 =	vld [tilespmem:$0x2D10]  }
0x2f1: {  	v0 =	vadd.f32 v26, v0  }
0x2f2: {  	v29 =	vld [tilespmem:$0x2D90]  }
0x2f3: {  	v0 =	vadd.f32 v27, v0;
	_ =	sdelay $0x1  }
0x2f4: {  	v0 =	vadd.f32 v28, v0;
	_ =	sdelay $0x1  }
0x2f5: {  	v0 =	vadd.f32 v29, v0;
	_ =	sdelay $0x1  }
0x2f6: {  	v0 =	vmul.f32 $5.000000070e-02, v0;
	_ =	sdelay $0x1  }
0x2f7: {  	[tilespmem:s13+$0x10] =	vst v0  }
0x2f8: {  	v0 =	vld [tilespmem:$0x2420]  }
0x2f9: {  	v30 =	vld [tilespmem:$0x24A0];
	_ =	sdelay $0x1  }
0x2fa: {  	v31 =	vld [tilespmem:$0x2520];
	_ =	sdelay $0x1  }
0x2fb: {  	v32 =	vld [tilespmem:$0x25A0]  }
0x2fc: {  	v0 =	vadd.f32 v30, v0  }
0x2fd: {  	v33 =	vld [tilespmem:$0x2620]  }
0x2fe: {  	v0 =	vadd.f32 v31, v0  }
0x2ff: {  	v34 =	vld [tilespmem:$0x26A0]  }
0x300: {  	v0 =	vadd.f32 v32, v0  }
0x301: {  	v35 =	vld [tilespmem:$0x2720]  }
0x302: {  	v0 =	vadd.f32 v33, v0  }
0x303: {  	v36 =	vld [tilespmem:$0x27A0]  }
0x304: {  	v0 =	vadd.f32 v34, v0  }
0x305: {  	v37 =	vld [tilespmem:$0x2820]  }
0x306: {  	v0 =	vadd.f32 v35, v0  }
0x307: {  	v38 =	vld [tilespmem:$0x28A0]  }
0x308: {  	v0 =	vadd.f32 v36, v0  }
0x309: {  	v39 =	vld [tilespmem:$0x2920]  }
0x30a: {  	v0 =	vadd.f32 v37, v0  }
0x30b: {  	v40 =	vld [tilespmem:$0x29A0]  }
0x30c: {  	v0 =	vadd.f32 v38, v0  }
0x30d: {  	v41 =	vld [tilespmem:$0x2A20]  }
0x30e: {  	v0 =	vadd.f32 v39, v0  }
0x30f: {  	v42 =	vld [tilespmem:$0x2AA0]  }
0x310: {  	v0 =	vadd.f32 v40, v0  }
0x311: {  	v43 =	vld [tilespmem:$0x2B20]  }
0x312: {  	v0 =	vadd.f32 v41, v0  }
0x313: {  	v44 =	vld [tilespmem:$0x2BA0]  }
0x314: {  	v0 =	vadd.f32 v42, v0  }
0x315: {  	v45 =	vld [tilespmem:$0x2C20]  }
0x316: {  	v0 =	vadd.f32 v43, v0  }
0x317: {  	v46 =	vld [tilespmem:$0x2CA0]  }
0x318: {  	v0 =	vadd.f32 v44, v0  }
0x319: {  	v47 =	vld [tilespmem:$0x2D20]  }
0x31a: {  	v0 =	vadd.f32 v45, v0  }
0x31b: {  	v48 =	vld [tilespmem:$0x2DA0]  }
0x31c: {  	v0 =	vadd.f32 v46, v0;
	_ =	sdelay $0x1  }
0x31d: {  	v0 =	vadd.f32 v47, v0;
	_ =	sdelay $0x1  }
0x31e: {  	v0 =	vadd.f32 v48, v0;
	_ =	sdelay $0x1  }
0x31f: {  	v0 =	vmul.f32 $5.000000070e-02, v0;
	_ =	sdelay $0x1  }
0x320: {  	[tilespmem:s13+$0x20] =	vst v0  }
0x321: {  	v0 =	vld [tilespmem:$0x2430]  }
0x322: {  	v49 =	vld [tilespmem:$0x24B0];
	_ =	sdelay $0x1  }
0x323: {  	v50 =	vld [tilespmem:$0x2530];
	_ =	sdelay $0x1  }
0x324: {  	v51 =	vld [tilespmem:$0x25B0]  }
0x325: {  	v0 =	vadd.f32 v49, v0  }
0x326: {  	v52 =	vld [tilespmem:$0x2630]  }
0x327: {  	v0 =	vadd.f32 v50, v0  }
0x328: {  	v53 =	vld [tilespmem:$0x26B0]  }
0x329: {  	v0 =	vadd.f32 v51, v0  }
0x32a: {  	v54 =	vld [tilespmem:$0x2730]  }
0x32b: {  	v0 =	vadd.f32 v52, v0  }
0x32c: {  	v55 =	vld [tilespmem:$0x27B0]  }
0x32d: {  	v0 =	vadd.f32 v53, v0  }
0x32e: {  	v56 =	vld [tilespmem:$0x2830]  }
0x32f: {  	v0 =	vadd.f32 v54, v0  }
0x330: {  	v57 =	vld [tilespmem:$0x28B0]  }
0x331: {  	v0 =	vadd.f32 v55, v0  }
0x332: {  	v58 =	vld [tilespmem:$0x2930]  }
0x333: {  	v0 =	vadd.f32 v56, v0  }
0x334: {  	v59 =	vld [tilespmem:$0x29B0]  }
0x335: {  	v0 =	vadd.f32 v57, v0  }
0x336: {  	v60 =	vld [tilespmem:$0x2A30]  }
0x337: {  	v0 =	vadd.f32 v58, v0  }
0x338: {  	v61 =	vld [tilespmem:$0x2AB0]  }
0x339: {  	v0 =	vadd.f32 v59, v0  }
0x33a: {  	v62 =	vld [tilespmem:$0x2B30]  }
0x33b: {  	v0 =	vadd.f32 v60, v0  }
0x33c: {  	v63 =	vld [tilespmem:$0x2BB0]  }
0x33d: {  	v0 =	vadd.f32 v61, v0  }
0x33e: {  	v6 =	vld [tilespmem:$0x2C30]  }
0x33f: {  	v0 =	vadd.f32 v62, v0  }
0x340: {  	v7 =	vld [tilespmem:$0x2CB0]  }
0x341: {  	v0 =	vadd.f32 v63, v0  }
0x342: {  	v8 =	vld [tilespmem:$0x2D30]  }
0x343: {  	v0 =	vadd.f32 v6, v0  }
0x344: {  	v9 =	vld [tilespmem:$0x2DB0]  }
0x345: {  	v0 =	vadd.f32 v7, v0;
	_ =	sdelay $0x1  }
0x346: {  	v0 =	vadd.f32 v8, v0;
	_ =	sdelay $0x1  }
0x347: {  	v0 =	vadd.f32 v9, v0;
	_ =	sdelay $0x1  }
0x348: {  	v0 =	vmul.f32 $5.000000070e-02, v0;
	_ =	sdelay $0x1  }
0x349: {  	[tilespmem:s13+$0x30] =	vst v0  }
0x34a: {  	v0 =	vld [tilespmem:$0x2440]  }
0x34b: {  	v10 =	vld [tilespmem:$0x24C0];
	_ =	sdelay $0x1  }
0x34c: {  	v11 =	vld [tilespmem:$0x2540];
	_ =	sdelay $0x1  }
0x34d: {  	v12 =	vld [tilespmem:$0x25C0]  }
0x34e: {  	v0 =	vadd.f32 v10, v0  }
0x34f: {  	v13 =	vld [tilespmem:$0x2640]  }
0x350: {  	v0 =	vadd.f32 v11, v0  }
0x351: {  	v14 =	vld [tilespmem:$0x26C0]  }
0x352: {  	v0 =	vadd.f32 v12, v0  }
0x353: {  	v15 =	vld [tilespmem:$0x2740]  }
0x354: {  	v0 =	vadd.f32 v13, v0  }
0x355: {  	v16 =	vld [tilespmem:$0x27C0]  }
0x356: {  	v0 =	vadd.f32 v14, v0  }
0x357: {  	v17 =	vld [tilespmem:$0x2840]  }
0x358: {  	v0 =	vadd.f32 v15, v0  }
0x359: {  	v18 =	vld [tilespmem:$0x28C0]  }
0x35a: {  	v0 =	vadd.f32 v16, v0  }
0x35b: {  	v19 =	vld [tilespmem:$0x2940]  }
0x35c: {  	v0 =	vadd.f32 v17, v0  }
0x35d: {  	v20 =	vld [tilespmem:$0x29C0]  }
0x35e: {  	v0 =	vadd.f32 v18, v0  }
0x35f: {  	v21 =	vld [tilespmem:$0x2A40]  }
0x360: {  	v0 =	vadd.f32 v19, v0  }
0x361: {  	v22 =	vld [tilespmem:$0x2AC0]  }
0x362: {  	v0 =	vadd.f32 v20, v0  }
0x363: {  	v23 =	vld [tilespmem:$0x2B40]  }
0x364: {  	v0 =	vadd.f32 v21, v0  }
0x365: {  	v24 =	vld [tilespmem:$0x2BC0]  }
0x366: {  	v0 =	vadd.f32 v22, v0  }
0x367: {  	v25 =	vld [tilespmem:$0x2C40]  }
0x368: {  	v0 =	vadd.f32 v23, v0  }
0x369: {  	v26 =	vld [tilespmem:$0x2CC0]  }
0x36a: {  	v0 =	vadd.f32 v24, v0  }
0x36b: {  	v27 =	vld [tilespmem:$0x2D40]  }
0x36c: {  	v0 =	vadd.f32 v25, v0  }
0x36d: {  	v28 =	vld [tilespmem:$0x2DC0]  }
0x36e: {  	v0 =	vadd.f32 v26, v0;
	_ =	sdelay $0x1  }
0x36f: {  	v0 =	vadd.f32 v27, v0;
	_ =	sdelay $0x1  }
0x370: {  	v0 =	vadd.f32 v28, v0;
	_ =	sdelay $0x1  }
0x371: {  	v0 =	vmul.f32 $5.000000070e-02, v0;
	_ =	sdelay $0x1  }
0x372: {  	[tilespmem:s13+$0x40] =	vst v0  }
0x373: {  	v0 =	vld [tilespmem:$0x2450]  }
0x374: {  	v29 =	vld [tilespmem:$0x24D0];
	_ =	sdelay $0x1  }
0x375: {  	v30 =	vld [tilespmem:$0x2550];
	_ =	sdelay $0x1  }
0x376: {  	v31 =	vld [tilespmem:$0x25D0]  }
0x377: {  	v0 =	vadd.f32 v29, v0  }
0x378: {  	v32 =	vld [tilespmem:$0x2650]  }
0x379: {  	v0 =	vadd.f32 v30, v0  }
0x37a: {  	v33 =	vld [tilespmem:$0x26D0]  }
0x37b: {  	v0 =	vadd.f32 v31, v0  }
0x37c: {  	v34 =	vld [tilespmem:$0x2750]  }
0x37d: {  	v0 =	vadd.f32 v32, v0  }
0x37e: {  	v35 =	vld [tilespmem:$0x27D0]  }
0x37f: {  	v0 =	vadd.f32 v33, v0  }
0x380: {  	v36 =	vld [tilespmem:$0x2850]  }
0x381: {  	v0 =	vadd.f32 v34, v0  }
0x382: {  	v37 =	vld [tilespmem:$0x28D0]  }
0x383: {  	v0 =	vadd.f32 v35, v0  }
0x384: {  	v38 =	vld [tilespmem:$0x2950]  }
0x385: {  	v0 =	vadd.f32 v36, v0  }
0x386: {  	v39 =	vld [tilespmem:$0x29D0]  }
0x387: {  	v0 =	vadd.f32 v37, v0  }
0x388: {  	v40 =	vld [tilespmem:$0x2A50]  }
0x389: {  	v0 =	vadd.f32 v38, v0  }
0x38a: {  	v41 =	vld [tilespmem:$0x2AD0]  }
0x38b: {  	v0 =	vadd.f32 v39, v0  }
0x38c: {  	v42 =	vld [tilespmem:$0x2B50]  }
0x38d: {  	v0 =	vadd.f32 v40, v0  }
0x38e: {  	v43 =	vld [tilespmem:$0x2BD0]  }
0x38f: {  	v0 =	vadd.f32 v41, v0  }
0x390: {  	v44 =	vld [tilespmem:$0x2C50]  }
0x391: {  	v0 =	vadd.f32 v42, v0  }
0x392: {  	v45 =	vld [tilespmem:$0x2CD0]  }
0x393: {  	v0 =	vadd.f32 v43, v0  }
0x394: {  	v46 =	vld [tilespmem:$0x2D50]  }
0x395: {  	v0 =	vadd.f32 v44, v0  }
0x396: {  	v47 =	vld [tilespmem:$0x2DD0]  }
0x397: {  	v0 =	vadd.f32 v45, v0;
	_ =	sdelay $0x1  }
0x398: {  	v0 =	vadd.f32 v46, v0;
	_ =	sdelay $0x1  }
0x399: {  	v0 =	vadd.f32 v47, v0;
	_ =	sdelay $0x1  }
0x39a: {  	v0 =	vmul.f32 $5.000000070e-02, v0;
	_ =	sdelay $0x1  }
0x39b: {  	[tilespmem:s13+$0x50] =	vst v0  }
0x39c: {  	v0 =	vld [tilespmem:$0x2460]  }
0x39d: {  	v48 =	vld [tilespmem:$0x24E0];
	_ =	sdelay $0x1  }
0x39e: {  	v49 =	vld [tilespmem:$0x2560];
	_ =	sdelay $0x1  }
0x39f: {  	v50 =	vld [tilespmem:$0x25E0]  }
0x3a0: {  	v0 =	vadd.f32 v48, v0  }
0x3a1: {  	v51 =	vld [tilespmem:$0x2660]  }
0x3a2: {  	v0 =	vadd.f32 v49, v0  }
0x3a3: {  	v52 =	vld [tilespmem:$0x26E0]  }
0x3a4: {  	v0 =	vadd.f32 v50, v0  }
0x3a5: {  	v53 =	vld [tilespmem:$0x2760]  }
0x3a6: {  	v0 =	vadd.f32 v51, v0  }
0x3a7: {  	v54 =	vld [tilespmem:$0x27E0]  }
0x3a8: {  	v0 =	vadd.f32 v52, v0  }
0x3a9: {  	v55 =	vld [tilespmem:$0x2860]  }
0x3aa: {  	v0 =	vadd.f32 v53, v0  }
0x3ab: {  	v56 =	vld [tilespmem:$0x28E0]  }
0x3ac: {  	v0 =	vadd.f32 v54, v0  }
0x3ad: {  	v57 =	vld [tilespmem:$0x2960]  }
0x3ae: {  	v0 =	vadd.f32 v55, v0  }
0x3af: {  	v58 =	vld [tilespmem:$0x29E0]  }
0x3b0: {  	v0 =	vadd.f32 v56, v0  }
0x3b1: {  	v59 =	vld [tilespmem:$0x2A60]  }
0x3b2: {  	v0 =	vadd.f32 v57, v0  }
0x3b3: {  	v60 =	vld [tilespmem:$0x2AE0]  }
0x3b4: {  	v0 =	vadd.f32 v58, v0  }
0x3b5: {  	v61 =	vld [tilespmem:$0x2B60]  }
0x3b6: {  	v0 =	vadd.f32 v59, v0  }
0x3b7: {  	v62 =	vld [tilespmem:$0x2BE0]  }
0x3b8: {  	v0 =	vadd.f32 v60, v0  }
0x3b9: {  	v63 =	vld [tilespmem:$0x2C60]  }
0x3ba: {  	v0 =	vadd.f32 v61, v0  }
0x3bb: {  	v6 =	vld [tilespmem:$0x2CE0]  }
0x3bc: {  	v0 =	vadd.f32 v62, v0  }
0x3bd: {  	v7 =	vld [tilespmem:$0x2D60]  }
0x3be: {  	v0 =	vadd.f32 v63, v0  }
0x3bf: {  	v8 =	vld [tilespmem:$0x2DE0]  }
0x3c0: {  	v0 =	vadd.f32 v6, v0;
	_ =	sdelay $0x1  }
0x3c1: {  	v0 =	vadd.f32 v7, v0;
	_ =	sdelay $0x1  }
0x3c2: {  	v0 =	vadd.f32 v8, v0;
	_ =	sdelay $0x1  }
0x3c3: {  	v0 =	vmul.f32 $5.000000070e-02, v0;
	_ =	sdelay $0x1  }
0x3c4: {  	[tilespmem:s13+$0x60] =	vst v0  }
0x3c5: {  	v0 =	vld [tilespmem:$0x2470]  }
0x3c6: {  	v9 =	vld [tilespmem:$0x24F0];
	_ =	sdelay $0x1  }
0x3c7: {  	v10 =	vld [tilespmem:$0x2570];
	_ =	sdelay $0x1  }
0x3c8: {  	v11 =	vld [tilespmem:$0x25F0]  }
0x3c9: {  	v0 =	vadd.f32 v9, v0  }
0x3ca: {  	v12 =	vld [tilespmem:$0x2670]  }
0x3cb: {  	v0 =	vadd.f32 v10, v0  }
0x3cc: {  	v13 =	vld [tilespmem:$0x26F0]  }
0x3cd: {  	v0 =	vadd.f32 v11, v0  }
0x3ce: {  	v14 =	vld [tilespmem:$0x2770]  }
0x3cf: {  	v0 =	vadd.f32 v12, v0  }
0x3d0: {  	v15 =	vld [tilespmem:$0x27F0]  }
0x3d1: {  	v0 =	vadd.f32 v13, v0  }
0x3d2: {  	v16 =	vld [tilespmem:$0x2870]  }
0x3d3: {  	v0 =	vadd.f32 v14, v0  }
0x3d4: {  	v17 =	vld [tilespmem:$0x28F0]  }
0x3d5: {  	v0 =	vadd.f32 v15, v0  }
0x3d6: {  	v18 =	vld [tilespmem:$0x2970]  }
0x3d7: {  	v0 =	vadd.f32 v16, v0  }
0x3d8: {  	v19 =	vld [tilespmem:$0x29F0]  }
0x3d9: {  	v0 =	vadd.f32 v17, v0  }
0x3da: {  	v20 =	vld [tilespmem:$0x2A70]  }
0x3db: {  	v0 =	vadd.f32 v18, v0  }
0x3dc: {  	v21 =	vld [tilespmem:$0x2AF0]  }
0x3dd: {  	v0 =	vadd.f32 v19, v0  }
0x3de: {  	v22 =	vld [tilespmem:$0x2B70]  }
0x3df: {  	v0 =	vadd.f32 v20, v0  }
0x3e0: {  	v23 =	vld [tilespmem:$0x2BF0]  }
0x3e1: {  	v0 =	vadd.f32 v21, v0  }
0x3e2: {  	v24 =	vld [tilespmem:$0x2C70]  }
0x3e3: {  	v0 =	vadd.f32 v22, v0  }
0x3e4: {  	v25 =	vld [tilespmem:$0x2CF0]  }
0x3e5: {  	v0 =	vadd.f32 v23, v0  }
0x3e6: {  	v26 =	vld [tilespmem:$0x2D70]  }
0x3e7: {  	v0 =	vadd.f32 v24, v0  }
0x3e8: {  	v27 =	vld [tilespmem:$0x2DF0]  }
0x3e9: {  	v0 =	vadd.f32 v25, v0;
	_ =	sdelay $0x1  }
0x3ea: {  	v0 =	vadd.f32 v26, v0;
	_ =	sdelay $0x1  }
0x3eb: {  	v0 =	vadd.f32 v27, v0;
	_ =	sdelay $0x1  }
0x3ec: {  	v0 =	vmul.f32 $5.000000070e-02, v0;
	_ =	sdelay $0x1  }
0x3ed: {  	[tilespmem:s13+$0x70] =	vst v0  }
0x3ee: {  	v0 =	vld [tilespmem:$0x2E00]  }
0x3ef: {  	v28 =	vld [tilespmem:$0x2E80];
	_ =	sdelay $0x1  }
0x3f0: {  	v29 =	vld [tilespmem:$0x2F00];
	_ =	sdelay $0x1  }
0x3f1: {  	v30 =	vld [tilespmem:$0x2F80]  }
0x3f2: {  	v0 =	vadd.f32 v28, v0  }
0x3f3: {  	v31 =	vld [tilespmem:$0x3000]  }
0x3f4: {  	v0 =	vadd.f32 v29, v0  }
0x3f5: {  	v32 =	vld [tilespmem:$0x3080]  }
0x3f6: {  	v0 =	vadd.f32 v30, v0  }
0x3f7: {  	v33 =	vld [tilespmem:$0x3100]  }
0x3f8: {  	v0 =	vadd.f32 v31, v0  }
0x3f9: {  	v34 =	vld [tilespmem:$0x3180]  }
0x3fa: {  	v0 =	vadd.f32 v32, v0  }
0x3fb: {  	v35 =	vld [tilespmem:$0x3200]  }
0x3fc: {  	v0 =	vadd.f32 v33, v0  }
0x3fd: {  	v36 =	vld [tilespmem:$0x3280]  }
0x3fe: {  	v0 =	vadd.f32 v34, v0  }
0x3ff: {  	v37 =	vld [tilespmem:$0x3300]  }
0x400: {  	v0 =	vadd.f32 v35, v0  }
0x401: {  	v38 =	vld [tilespmem:$0x3380]  }
0x402: {  	v0 =	vadd.f32 v36, v0  }
0x403: {  	v39 =	vld [tilespmem:$0x3400]  }
0x404: {  	v0 =	vadd.f32 v37, v0  }
0x405: {  	v40 =	vld [tilespmem:$0x3480]  }
0x406: {  	v0 =	vadd.f32 v38, v0  }
0x407: {  	v41 =	vld [tilespmem:$0x3500]  }
0x408: {  	v0 =	vadd.f32 v39, v0  }
0x409: {  	v42 =	vld [tilespmem:$0x3580]  }
0x40a: {  	v0 =	vadd.f32 v40, v0  }
0x40b: {  	v43 =	vld [tilespmem:$0x3600]  }
0x40c: {  	v0 =	vadd.f32 v41, v0  }
0x40d: {  	v44 =	vld [tilespmem:$0x3680]  }
0x40e: {  	v0 =	vadd.f32 v42, v0  }
0x40f: {  	v45 =	vld [tilespmem:$0x3700]  }
0x410: {  	v0 =	vadd.f32 v43, v0  }
0x411: {  	v46 =	vld [tilespmem:$0x3780]  }
0x412: {  	v0 =	vadd.f32 v44, v0;
	_ =	sdelay $0x1  }
0x413: {  	v0 =	vadd.f32 v45, v0;
	_ =	sdelay $0x1  }
0x414: {  	v0 =	vadd.f32 v46, v0;
	_ =	sdelay $0x1  }
0x415: {  	v0 =	vmul.f32 $5.000000070e-02, v0;
	_ =	sdelay $0x1  }
0x416: {  	[tilespmem:s13+$0x80] =	vst v0  }
0x417: {  	v0 =	vld [tilespmem:$0x2E10]  }
0x418: {  	v47 =	vld [tilespmem:$0x2E90];
	_ =	sdelay $0x1  }
0x419: {  	v48 =	vld [tilespmem:$0x2F10];
	_ =	sdelay $0x1  }
0x41a: {  	v49 =	vld [tilespmem:$0x2F90]  }
0x41b: {  	v0 =	vadd.f32 v47, v0  }
0x41c: {  	v50 =	vld [tilespmem:$0x3010]  }
0x41d: {  	v0 =	vadd.f32 v48, v0  }
0x41e: {  	v51 =	vld [tilespmem:$0x3090]  }
0x41f: {  	v0 =	vadd.f32 v49, v0  }
0x420: {  	v52 =	vld [tilespmem:$0x3110]  }
0x421: {  	v0 =	vadd.f32 v50, v0  }
0x422: {  	v53 =	vld [tilespmem:$0x3190]  }
0x423: {  	v0 =	vadd.f32 v51, v0  }
0x424: {  	v54 =	vld [tilespmem:$0x3210]  }
0x425: {  	v0 =	vadd.f32 v52, v0  }
0x426: {  	v55 =	vld [tilespmem:$0x3290]  }
0x427: {  	v0 =	vadd.f32 v53, v0  }
0x428: {  	v56 =	vld [tilespmem:$0x3310]  }
0x429: {  	v0 =	vadd.f32 v54, v0  }
0x42a: {  	v57 =	vld [tilespmem:$0x3390]  }
0x42b: {  	v0 =	vadd.f32 v55, v0  }
0x42c: {  	v58 =	vld [tilespmem:$0x3410]  }
0x42d: {  	v0 =	vadd.f32 v56, v0  }
0x42e: {  	v59 =	vld [tilespmem:$0x3490]  }
0x42f: {  	v0 =	vadd.f32 v57, v0  }
0x430: {  	v60 =	vld [tilespmem:$0x3510]  }
0x431: {  	v0 =	vadd.f32 v58, v0  }
0x432: {  	v61 =	vld [tilespmem:$0x3590]  }
0x433: {  	v0 =	vadd.f32 v59, v0  }
0x434: {  	v62 =	vld [tilespmem:$0x3610]  }
0x435: {  	v0 =	vadd.f32 v60, v0  }
0x436: {  	v63 =	vld [tilespmem:$0x3690]  }
0x437: {  	v0 =	vadd.f32 v61, v0  }
0x438: {  	v6 =	vld [tilespmem:$0x3710]  }
0x439: {  	v0 =	vadd.f32 v62, v0  }
0x43a: {  	v7 =	vld [tilespmem:$0x3790]  }
0x43b: {  	v0 =	vadd.f32 v63, v0;
	_ =	sdelay $0x1  }
0x43c: {  	v0 =	vadd.f32 v6, v0;
	_ =	sdelay $0x1  }
0x43d: {  	v0 =	vadd.f32 v7, v0;
	_ =	sdelay $0x1  }
0x43e: {  	v0 =	vmul.f32 $5.000000070e-02, v0;
	_ =	sdelay $0x1  }
0x43f: {  	[tilespmem:s13+$0x90] =	vst v0  }
0x440: {  	v0 =	vld [tilespmem:$0x2E20]  }
0x441: {  	v8 =	vld [tilespmem:$0x2EA0];
	_ =	sdelay $0x1  }
0x442: {  	v9 =	vld [tilespmem:$0x2F20];
	_ =	sdelay $0x1  }
0x443: {  	v10 =	vld [tilespmem:$0x2FA0]  }
0x444: {  	v0 =	vadd.f32 v8, v0  }
0x445: {  	v11 =	vld [tilespmem:$0x3020]  }
0x446: {  	v0 =	vadd.f32 v9, v0  }
0x447: {  	v12 =	vld [tilespmem:$0x30A0]  }
0x448: {  	v0 =	vadd.f32 v10, v0  }
0x449: {  	v13 =	vld [tilespmem:$0x3120]  }
0x44a: {  	v0 =	vadd.f32 v11, v0  }
0x44b: {  	v14 =	vld [tilespmem:$0x31A0]  }
0x44c: {  	v0 =	vadd.f32 v12, v0  }
0x44d: {  	v15 =	vld [tilespmem:$0x3220]  }
0x44e: {  	v0 =	vadd.f32 v13, v0  }
0x44f: {  	v16 =	vld [tilespmem:$0x32A0]  }
0x450: {  	v0 =	vadd.f32 v14, v0  }
0x451: {  	v17 =	vld [tilespmem:$0x3320]  }
0x452: {  	v0 =	vadd.f32 v15, v0  }
0x453: {  	v18 =	vld [tilespmem:$0x33A0]  }
0x454: {  	v0 =	vadd.f32 v16, v0  }
0x455: {  	v19 =	vld [tilespmem:$0x3420]  }
0x456: {  	v0 =	vadd.f32 v17, v0  }
0x457: {  	v20 =	vld [tilespmem:$0x34A0]  }
0x458: {  	v0 =	vadd.f32 v18, v0  }
0x459: {  	v21 =	vld [tilespmem:$0x3520]  }
0x45a: {  	v0 =	vadd.f32 v19, v0  }
0x45b: {  	v22 =	vld [tilespmem:$0x35A0]  }
0x45c: {  	v0 =	vadd.f32 v20, v0  }
0x45d: {  	v23 =	vld [tilespmem:$0x3620]  }
0x45e: {  	v0 =	vadd.f32 v21, v0  }
0x45f: {  	v24 =	vld [tilespmem:$0x36A0]  }
0x460: {  	v0 =	vadd.f32 v22, v0  }
0x461: {  	v25 =	vld [tilespmem:$0x3720]  }
0x462: {  	v0 =	vadd.f32 v23, v0  }
0x463: {  	v26 =	vld [tilespmem:$0x37A0]  }
0x464: {  	v0 =	vadd.f32 v24, v0;
	_ =	sdelay $0x1  }
0x465: {  	v0 =	vadd.f32 v25, v0;
	_ =	sdelay $0x1  }
0x466: {  	v0 =	vadd.f32 v26, v0;
	_ =	sdelay $0x1  }
0x467: {  	v0 =	vmul.f32 $5.000000070e-02, v0;
	_ =	sdelay $0x1  }
0x468: {  	[tilespmem:s13+$0xA0] =	vst v0  }
0x469: {  	v0 =	vld [tilespmem:$0x2E30]  }
0x46a: {  	v27 =	vld [tilespmem:$0x2EB0];
	_ =	sdelay $0x1  }
0x46b: {  	v28 =	vld [tilespmem:$0x2F30];
	_ =	sdelay $0x1  }
0x46c: {  	v29 =	vld [tilespmem:$0x2FB0]  }
0x46d: {  	v0 =	vadd.f32 v27, v0  }
0x46e: {  	v30 =	vld [tilespmem:$0x3030]  }
0x46f: {  	v0 =	vadd.f32 v28, v0  }
0x470: {  	v31 =	vld [tilespmem:$0x30B0]  }
0x471: {  	v0 =	vadd.f32 v29, v0  }
0x472: {  	v32 =	vld [tilespmem:$0x3130]  }
0x473: {  	v0 =	vadd.f32 v30, v0  }
0x474: {  	v33 =	vld [tilespmem:$0x31B0]  }
0x475: {  	v0 =	vadd.f32 v31, v0  }
0x476: {  	v34 =	vld [tilespmem:$0x3230]  }
0x477: {  	v0 =	vadd.f32 v32, v0  }
0x478: {  	v35 =	vld [tilespmem:$0x32B0]  }
0x479: {  	v0 =	vadd.f32 v33, v0  }
0x47a: {  	v36 =	vld [tilespmem:$0x3330]  }
0x47b: {  	v0 =	vadd.f32 v34, v0  }
0x47c: {  	v37 =	vld [tilespmem:$0x33B0]  }
0x47d: {  	v0 =	vadd.f32 v35, v0  }
0x47e: {  	v38 =	vld [tilespmem:$0x3430]  }
0x47f: {  	v0 =	vadd.f32 v36, v0  }
0x480: {  	v39 =	vld [tilespmem:$0x34B0]  }
0x481: {  	v0 =	vadd.f32 v37, v0  }
0x482: {  	v40 =	vld [tilespmem:$0x3530]  }
0x483: {  	v0 =	vadd.f32 v38, v0  }
0x484: {  	v41 =	vld [tilespmem:$0x35B0]  }
0x485: {  	v0 =	vadd.f32 v39, v0  }
0x486: {  	v42 =	vld [tilespmem:$0x3630]  }
0x487: {  	v0 =	vadd.f32 v40, v0  }
0x488: {  	v43 =	vld [tilespmem:$0x36B0]  }
0x489: {  	v0 =	vadd.f32 v41, v0  }
0x48a: {  	v44 =	vld [tilespmem:$0x3730]  }
0x48b: {  	v0 =	vadd.f32 v42, v0  }
0x48c: {  	v45 =	vld [tilespmem:$0x37B0]  }
0x48d: {  	v0 =	vadd.f32 v43, v0;
	_ =	sdelay $0x1  }
0x48e: {  	v0 =	vadd.f32 v44, v0;
	_ =	sdelay $0x1  }
0x48f: {  	v0 =	vadd.f32 v45, v0;
	_ =	sdelay $0x1  }
0x490: {  	v0 =	vmul.f32 $5.000000070e-02, v0;
	_ =	sdelay $0x1  }
0x491: {  	[tilespmem:s13+$0xB0] =	vst v0  }
0x492: {  	v0 =	vld [tilespmem:$0x2E40]  }
0x493: {  	v46 =	vld [tilespmem:$0x2EC0];
	_ =	sdelay $0x1  }
0x494: {  	v47 =	vld [tilespmem:$0x2F40];
	_ =	sdelay $0x1  }
0x495: {  	v48 =	vld [tilespmem:$0x2FC0]  }
0x496: {  	v0 =	vadd.f32 v46, v0  }
0x497: {  	v49 =	vld [tilespmem:$0x3040]  }
0x498: {  	v0 =	vadd.f32 v47, v0  }
0x499: {  	v50 =	vld [tilespmem:$0x30C0]  }
0x49a: {  	v0 =	vadd.f32 v48, v0  }
0x49b: {  	v51 =	vld [tilespmem:$0x3140]  }
0x49c: {  	v0 =	vadd.f32 v49, v0  }
0x49d: {  	v52 =	vld [tilespmem:$0x31C0]  }
0x49e: {  	v0 =	vadd.f32 v50, v0  }
0x49f: {  	v53 =	vld [tilespmem:$0x3240]  }
0x4a0: {  	v0 =	vadd.f32 v51, v0  }
0x4a1: {  	v54 =	vld [tilespmem:$0x32C0]  }
0x4a2: {  	v0 =	vadd.f32 v52, v0  }
0x4a3: {  	v55 =	vld [tilespmem:$0x3340]  }
0x4a4: {  	v0 =	vadd.f32 v53, v0  }
0x4a5: {  	v56 =	vld [tilespmem:$0x33C0]  }
0x4a6: {  	v0 =	vadd.f32 v54, v0  }
0x4a7: {  	v57 =	vld [tilespmem:$0x3440]  }
0x4a8: {  	v0 =	vadd.f32 v55, v0  }
0x4a9: {  	v58 =	vld [tilespmem:$0x34C0]  }
0x4aa: {  	v0 =	vadd.f32 v56, v0  }
0x4ab: {  	v59 =	vld [tilespmem:$0x3540]  }
0x4ac: {  	v0 =	vadd.f32 v57, v0  }
0x4ad: {  	v60 =	vld [tilespmem:$0x35C0]  }
0x4ae: {  	v0 =	vadd.f32 v58, v0  }
0x4af: {  	v61 =	vld [tilespmem:$0x3640]  }
0x4b0: {  	v0 =	vadd.f32 v59, v0  }
0x4b1: {  	v62 =	vld [tilespmem:$0x36C0]  }
0x4b2: {  	v0 =	vadd.f32 v60, v0  }
0x4b3: {  	v63 =	vld [tilespmem:$0x3740]  }
0x4b4: {  	v0 =	vadd.f32 v61, v0  }
0x4b5: {  	v6 =	vld [tilespmem:$0x37C0]  }
0x4b6: {  	v0 =	vadd.f32 v62, v0;
	_ =	sdelay $0x1  }
0x4b7: {  	v0 =	vadd.f32 v63, v0;
	_ =	sdelay $0x1  }
0x4b8: {  	v0 =	vadd.f32 v6, v0;
	_ =	sdelay $0x1  }
0x4b9: {  	v0 =	vmul.f32 $5.000000070e-02, v0;
	_ =	sdelay $0x1  }
0x4ba: {  	[tilespmem:s13+$0xC0] =	vst v0  }
0x4bb: {  	v0 =	vld [tilespmem:$0x2E50]  }
0x4bc: {  	v7 =	vld [tilespmem:$0x2ED0];
	_ =	sdelay $0x1  }
0x4bd: {  	v8 =	vld [tilespmem:$0x2F50];
	_ =	sdelay $0x1  }
0x4be: {  	v9 =	vld [tilespmem:$0x2FD0]  }
0x4bf: {  	v0 =	vadd.f32 v7, v0  }
0x4c0: {  	v10 =	vld [tilespmem:$0x3050]  }
0x4c1: {  	v0 =	vadd.f32 v8, v0  }
0x4c2: {  	v11 =	vld [tilespmem:$0x30D0]  }
0x4c3: {  	v0 =	vadd.f32 v9, v0  }
0x4c4: {  	v12 =	vld [tilespmem:$0x3150]  }
0x4c5: {  	v0 =	vadd.f32 v10, v0  }
0x4c6: {  	v13 =	vld [tilespmem:$0x31D0]  }
0x4c7: {  	v0 =	vadd.f32 v11, v0  }
0x4c8: {  	v14 =	vld [tilespmem:$0x3250]  }
0x4c9: {  	v0 =	vadd.f32 v12, v0  }
0x4ca: {  	v15 =	vld [tilespmem:$0x32D0]  }
0x4cb: {  	v0 =	vadd.f32 v13, v0  }
0x4cc: {  	v16 =	vld [tilespmem:$0x3350]  }
0x4cd: {  	v0 =	vadd.f32 v14, v0  }
0x4ce: {  	v17 =	vld [tilespmem:$0x33D0]  }
0x4cf: {  	v0 =	vadd.f32 v15, v0  }
0x4d0: {  	v18 =	vld [tilespmem:$0x3450]  }
0x4d1: {  	v0 =	vadd.f32 v16, v0  }
0x4d2: {  	v19 =	vld [tilespmem:$0x34D0]  }
0x4d3: {  	v0 =	vadd.f32 v17, v0  }
0x4d4: {  	v20 =	vld [tilespmem:$0x3550]  }
0x4d5: {  	v0 =	vadd.f32 v18, v0  }
0x4d6: {  	v21 =	vld [tilespmem:$0x35D0]  }
0x4d7: {  	v0 =	vadd.f32 v19, v0  }
0x4d8: {  	v22 =	vld [tilespmem:$0x3650]  }
0x4d9: {  	v0 =	vadd.f32 v20, v0  }
0x4da: {  	v23 =	vld [tilespmem:$0x36D0]  }
0x4db: {  	v0 =	vadd.f32 v21, v0  }
0x4dc: {  	v24 =	vld [tilespmem:$0x3750]  }
0x4dd: {  	v0 =	vadd.f32 v22, v0  }
0x4de: {  	v25 =	vld [tilespmem:$0x37D0]  }
0x4df: {  	v0 =	vadd.f32 v23, v0;
	_ =	sdelay $0x1  }
0x4e0: {  	v0 =	vadd.f32 v24, v0;
	_ =	sdelay $0x1  }
0x4e1: {  	v0 =	vadd.f32 v25, v0;
	_ =	sdelay $0x1  }
0x4e2: {  	v0 =	vmul.f32 $5.000000070e-02, v0;
	_ =	sdelay $0x1  }
0x4e3: {  	[tilespmem:s13+$0xD0] =	vst v0  }
0x4e4: {  	v0 =	vld [tilespmem:$0x2E60]  }
0x4e5: {  	v26 =	vld [tilespmem:$0x2EE0];
	_ =	sdelay $0x1  }
0x4e6: {  	v27 =	vld [tilespmem:$0x2F60];
	_ =	sdelay $0x1  }
0x4e7: {  	v28 =	vld [tilespmem:$0x2FE0]  }
0x4e8: {  	v0 =	vadd.f32 v26, v0  }
0x4e9: {  	v29 =	vld [tilespmem:$0x3060]  }
0x4ea: {  	v0 =	vadd.f32 v27, v0  }
0x4eb: {  	v30 =	vld [tilespmem:$0x30E0]  }
0x4ec: {  	v0 =	vadd.f32 v28, v0  }
0x4ed: {  	v31 =	vld [tilespmem:$0x3160]  }
0x4ee: {  	v0 =	vadd.f32 v29, v0  }
0x4ef: {  	v32 =	vld [tilespmem:$0x31E0]  }
0x4f0: {  	v0 =	vadd.f32 v30, v0  }
0x4f1: {  	v33 =	vld [tilespmem:$0x3260]  }
0x4f2: {  	v0 =	vadd.f32 v31, v0  }
0x4f3: {  	v34 =	vld [tilespmem:$0x32E0]  }
0x4f4: {  	v0 =	vadd.f32 v32, v0  }
0x4f5: {  	v35 =	vld [tilespmem:$0x3360]  }
0x4f6: {  	v0 =	vadd.f32 v33, v0  }
0x4f7: {  	v36 =	vld [tilespmem:$0x33E0]  }
0x4f8: {  	v0 =	vadd.f32 v34, v0  }
0x4f9: {  	v37 =	vld [tilespmem:$0x3460]  }
0x4fa: {  	v0 =	vadd.f32 v35, v0  }
0x4fb: {  	v38 =	vld [tilespmem:$0x34E0]  }
0x4fc: {  	v0 =	vadd.f32 v36, v0  }
0x4fd: {  	v39 =	vld [tilespmem:$0x3560]  }
0x4fe: {  	v0 =	vadd.f32 v37, v0  }
0x4ff: {  	v40 =	vld [tilespmem:$0x35E0]  }
0x500: {  	v0 =	vadd.f32 v38, v0  }
0x501: {  	v41 =	vld [tilespmem:$0x3660]  }
0x502: {  	v0 =	vadd.f32 v39, v0  }
0x503: {  	v42 =	vld [tilespmem:$0x36E0]  }
0x504: {  	v0 =	vadd.f32 v40, v0  }
0x505: {  	v43 =	vld [tilespmem:$0x3760]  }
0x506: {  	v0 =	vadd.f32 v41, v0  }
0x507: {  	v44 =	vld [tilespmem:$0x37E0]  }
0x508: {  	v0 =	vadd.f32 v42, v0;
	_ =	sdelay $0x1  }
0x509: {  	v0 =	vadd.f32 v43, v0;
	_ =	sdelay $0x1  }
0x50a: {  	v0 =	vadd.f32 v44, v0;
	_ =	sdelay $0x1  }
0x50b: {  	v0 =	vmul.f32 $5.000000070e-02, v0;
	_ =	sdelay $0x1  }
0x50c: {  	[tilespmem:s13+$0xE0] =	vst v0  }
0x50d: {  	v0 =	vld [tilespmem:$0x2E70]  }
0x50e: {  	v45 =	vld [tilespmem:$0x2EF0];
	_ =	sdelay $0x1  }
0x50f: {  	v46 =	vld [tilespmem:$0x2F70];
	_ =	sdelay $0x1  }
0x510: {  	v47 =	vld [tilespmem:$0x2FF0]  }
0x511: {  	v0 =	vadd.f32 v45, v0  }
0x512: {  	v48 =	vld [tilespmem:$0x3070]  }
0x513: {  	v0 =	vadd.f32 v46, v0  }
0x514: {  	v49 =	vld [tilespmem:$0x30F0]  }
0x515: {  	v0 =	vadd.f32 v47, v0  }
0x516: {  	v50 =	vld [tilespmem:$0x3170]  }
0x517: {  	v0 =	vadd.f32 v48, v0  }
0x518: {  	v51 =	vld [tilespmem:$0x31F0]  }
0x519: {  	v0 =	vadd.f32 v49, v0  }
0x51a: {  	v52 =	vld [tilespmem:$0x3270]  }
0x51b: {  	v0 =	vadd.f32 v50, v0  }
0x51c: {  	v53 =	vld [tilespmem:$0x32F0]  }
0x51d: {  	v0 =	vadd.f32 v51, v0  }
0x51e: {  	v54 =	vld [tilespmem:$0x3370]  }
0x51f: {  	v0 =	vadd.f32 v52, v0  }
0x520: {  	v55 =	vld [tilespmem:$0x33F0]  }
0x521: {  	v0 =	vadd.f32 v53, v0  }
0x522: {  	v56 =	vld [tilespmem:$0x3470]  }
0x523: {  	v0 =	vadd.f32 v54, v0  }
0x524: {  	v57 =	vld [tilespmem:$0x34F0]  }
0x525: {  	v0 =	vadd.f32 v55, v0  }
0x526: {  	v58 =	vld [tilespmem:$0x3570]  }
0x527: {  	v0 =	vadd.f32 v56, v0  }
0x528: {  	v59 =	vld [tilespmem:$0x35F0]  }
0x529: {  	v0 =	vadd.f32 v57, v0  }
0x52a: {  	v60 =	vld [tilespmem:$0x3670]  }
0x52b: {  	v0 =	vadd.f32 v58, v0  }
0x52c: {  	v61 =	vld [tilespmem:$0x36F0]  }
0x52d: {  	v0 =	vadd.f32 v59, v0  }
0x52e: {  	v62 =	vld [tilespmem:$0x3770]  }
0x52f: {  	v0 =	vadd.f32 v60, v0  }
0x530: {  	v63 =	vld [tilespmem:$0x37F0]  }
0x531: {  	v0 =	vadd.f32 v61, v0;
	_ =	sdelay $0x1  }
0x532: {  	v0 =	vadd.f32 v62, v0  }
0x533: {  	p0 =	sne.s32 s14, $0x3E00  }
.Ltmp0:
0x534: {  	v0 =	vadd.f32 v63, v0;
	(pc) =	sbr.rel @p0 .LBB2_2-.Ltmp0, $3  }
0x535: {  	_ = 	snop  }
0x536: {  	v0 =	vmul.f32 $5.000000070e-02, v0;
	_ =	sdelay $0x1  }
0x537: {  	s14 =	sadd.s32 $0x200, s14;
	[tilespmem:s13+$0xF0] =	vst v0;
	s13 =	sadd.s32 $0x200, s13  }
0x538: {  	s12 =	sadd.s32 $0x1, s12  }
0x539: {  	p0 =	sne.s32 s12, s6  }
.Ltmp1:
0x53a: {  	_ = 	snop;
	(pc) =	sbr.rel @p0 .LBB2_1-.Ltmp1, $4  }
0x53b: {  	[hbm4b:s5+s3] =	stream.linear.scatter [tilespmem:s11], [sflag:$0x2], $0x4000, $0x38;
	[tilespmem:$0x7800] =	vst v63  }
0x53c: {  	_ =	swait.ge [sflag:s7], $0x4000  }
0x53d: {  	[sflag:s7] =	ssyncset.done $0x0  }
0x53e: {  	[sflag:s7] =	ssyncadd.s32 $0xFFFFC000  }
0x53f: {  	_ =	sfence.sel $0x180000  }
0x540: {  	[bflag:$0x0] =	sbarrier.arrive $0xFFFF  }
0x541: {  	p0 =	sne.s32 s1, $0x0;
	_ =	strace $0x90000047  }
0x542: {  	s0 =	sadd.s32 @!p0 $0x100000, s0;
	[bflag:$0x2] =	sbarrier.arrive $0xFFFF  }
0x543: {  	[sflag:s0] =	ssyncadd.tile.s32 @!p0 $0x1;
	_ =	shalt  }
.Lfunc_end2:
_tile_overlayer_lowered:
.L_overlay_start_2:
0x544: {  	(tag) =	ssettag $0x2  }
0x545: {  	s0 =	rddreg [dreg:$0x0];
	s2 =	stileid.u32  }
0x546: {  	s1 =	rddreg [dreg:$0x1];
	p0 =	sne.s32 s2, $0x0  }
0x547: {  	s3 =	rddreg [dreg:$0x2];
	[bflag:$0x3] =	sbarrier.arrive $0xFFFF;
	s2 =	simm.s32 @!p0 $0x1C02  }
0x548: {  	[timem:s3], [sflag:s2] =	dma.local @!p0 [hbm:s0], s1  }
0x549: {  	s0 =	simm.s32 @!p0 $0x2  }
0x54a: {  	_ =	swait.ge @!p0 [sflag:s0], s1  }
0x54b: {  	s1 =	ssub.s32 @!p0 $0x0, s1;
	[sflag:s0] =	ssyncset.done @!p0 $0x0  }
0x54c: {  	[sflag:s0] =	ssyncadd.s32 @!p0 s1  }
0x54d: {  	[bflag:$0x3] =	sbarrier.arrive $0xFFFF  }
0x54e: {  	_ =	shalt  }

</sc_bundles>
